<compile_context>
chip_gen: v7x
topology: tpu7x:2x2x1
jax: 0.10.2.dev20260603
libtpu: 0.0.44.dev20260713+nightly
codegen_flags: <defaults>
</compile_context>

<pallas_src>
import functools

import jax
import jax.numpy as jnp
from jax import lax
from jax.experimental import pallas as pl
from jax.experimental.pallas import tpu as pltpu
from jax.experimental.pallas import tpu_sc as plsc

_NEG = -1e30


def _sc_pool(idx3, emb_table, B, C, D, nw, nc):
    bpw = B // nw
    ipw = bpw * C
    kc = 128
    nchunk = ipw // kc
    nh = D // 16

    mesh = plsc.VectorSubcoreMesh(core_axis_name="c", subcore_axis_name="s")

    @functools.partial(
        pl.kernel,
        out_type=jax.ShapeDtypeStruct((B, D), jnp.float32),
        mesh=mesh,
        scratch_types=[
            pltpu.VMEM((nchunk, kc), jnp.int32),
            pltpu.VMEM((ipw, D), jnp.float32),
            pltpu.VMEM((bpw, D), jnp.float32),
            pltpu.SemaphoreType.DMA,
        ],
        compiler_params=pltpu.CompilerParams(use_tc_tiling_on_sc=False),
    )
    def pool_k(idx_hbm, table_hbm, out_hbm, idx_v, rows_v, acc_v, sem):
        wid = lax.axis_index("s") * nc + lax.axis_index("c")
        pltpu.sync_copy(idx_hbm.at[wid], idx_v)
        copies = [
            pltpu.async_copy(
                table_hbm.at[idx_v.at[j]],
                rows_v.at[pl.ds(j * kc, kc)],
                sem,
            )
            for j in range(nchunk)
        ]
        for cp in copies:
            cp.wait()

        inv = jnp.float32(1.0 / C)

        def body(r, _):
            base = r * C
            for h in range(nh):
                acc = jnp.zeros((16,), jnp.float32)
                for j in range(C):
                    acc = acc + rows_v[base + j, pl.ds(h * 16, 16)]
                acc_v[r, pl.ds(h * 16, 16)] = acc * inv
            return 0

        lax.fori_loop(0, bpw, body, 0)
        pltpu.sync_copy(acc_v, out_hbm.at[pl.ds(wid * bpw, bpw)])

    return pool_k(idx3, emb_table)


def _dot_t(b_blk, a_blk):
    return lax.dot_general(
        b_blk[0], a_blk,
        (((0,), (1,)), ((), ())),
        preferred_element_type=jnp.float32,
    )


def _softmax_stats_t(a_mat, b_mat, B, K, vt, nv):

    def k(a_ref, b_ref, c_ref, m_ref, s_ref):
        v = pl.program_id(0)

        @pl.when(v == 0)
        def _():
            m_ref[...] = jnp.full((1, B), _NEG, jnp.float32)
            s_ref[...] = jnp.zeros((1, B), jnp.float32)

        logits = _dot_t(b_ref[...], a_ref[...])
        m_old = m_ref[...]
        m_new = jnp.maximum(m_old, jnp.max(logits, axis=0, keepdims=True))
        s_ref[...] = s_ref[...] * jnp.exp(m_old - m_new) + jnp.sum(
            jnp.exp(logits - m_new), axis=0, keepdims=True)
        m_ref[...] = m_new

        @pl.when(v == nv - 1)
        def _():
            c_ref[...] = m_ref[...] + jnp.log(s_ref[...])

    return pl.pallas_call(
        k,
        grid=(nv,),
        in_specs=[
            pl.BlockSpec((B, K), lambda v: (0, 0)),
            pl.BlockSpec((1, K, vt), lambda v: (v, 0, 0)),
        ],
        out_specs=pl.BlockSpec((1, B), lambda v: (0, 0)),
        out_shape=jax.ShapeDtypeStruct((1, B), jnp.float32),
        scratch_shapes=[
            pltpu.VMEM((1, B), jnp.float32),
            pltpu.VMEM((1, B), jnp.float32),
        ],
    )(a_mat, b_mat)


def _softmax_write_t(a_mat, b_mat, c, B, K, V, vt, nv):

    def k(a_ref, b_ref, c_ref, out_ref):
        logits = _dot_t(b_ref[...], a_ref[...])
        out_ref[...] = jnp.exp(logits - c_ref[...])

    return pl.pallas_call(
        k,
        grid=(nv,),
        in_specs=[
            pl.BlockSpec((B, K), lambda v: (0, 0)),
            pl.BlockSpec((1, K, vt), lambda v: (v, 0, 0)),
            pl.BlockSpec((1, B), lambda v: (0, 0)),
        ],
        out_specs=pl.BlockSpec((vt, B), lambda v: (v, 0)),
        out_shape=jax.ShapeDtypeStruct((V, B), jnp.float32),
    )(a_mat, b_mat, c)


def kernel(inputs, emb_table, fc_w, fc_b):
    B, C = inputs.shape
    V, D = emb_table.shape
    vt = 2000
    nv = V // vt

    info = plsc.get_sparse_core_info()
    nc = info.num_cores
    nw = nc * info.num_subcores
    idx3 = inputs.astype(jnp.int32).reshape(nw, B * C // (nw * 128), 128)
    pooled = _sc_pool(idx3, emb_table, B, C, D, nw, nc)

    f32 = jnp.float32
    bf16 = jnp.bfloat16
    xh = pooled.astype(bf16)
    xl = (pooled - xh.astype(f32)).astype(bf16)
    ones = jnp.ones((B, 1), bf16)
    zeros_a = jnp.zeros((B, 5), bf16)
    a_mat = jnp.concatenate([xh, xh, xl, ones, ones, ones, zeros_a], axis=1)

    wh = fc_w.astype(bf16)
    wl = (fc_w - wh.astype(f32)).astype(bf16)
    bh = fc_b.astype(bf16)
    bm = (fc_b - bh.astype(f32)).astype(bf16)
    bl = (fc_b - bh.astype(f32) - bm.astype(f32)).astype(bf16)
    zeros_b = jnp.zeros((5, V), bf16)
    b_flat = jnp.concatenate(
        [wh, wl, wh, bh[None], bm[None], bl[None], zeros_b], axis=0)
    K = a_mat.shape[1]
    b_mat = b_flat.reshape(K, nv, vt).swapaxes(0, 1)
    c = _softmax_stats_t(a_mat, b_mat, B, K, vt, nv)
    out_t = _softmax_write_t(a_mat, b_mat, c, B, K, V, vt, nv)
    return out_t.T

# --- scband reference (transcript-rebuilt; emitter-appended) ---
"""Pipeline reference for scband-cbowmodel-55705725829174 (READ-ONLY COPY).

The authoritative reference and input builder live on the scoring server;
editing this copy changes nothing except your own understanding.
"""

import jax, jax.numpy as jnp
import numpy as np

VOCAB = 100000
EMBED = 32
BATCH = 1024
CTX = 20


def setup_inputs(seed: int = 0) -> dict:
    key = jax.random.key(seed)
    k1, k2, k3, k4 = jax.random.split(key, 4)
    inputs = jax.random.randint(k1, (BATCH, CTX), 0, VOCAB, dtype=jnp.int64 if jax.config.jax_enable_x64 else jnp.int32)
    emb_table = jax.random.normal(k2, (VOCAB, EMBED), dtype=jnp.float32) * 0.05
    fc_w = jax.random.normal(k3, (EMBED, VOCAB), dtype=jnp.float32) * 0.05
    fc_b = jnp.zeros((VOCAB,), dtype=jnp.float32)
    return {"inputs": inputs, "emb_table": emb_table, "fc_w": fc_w, "fc_b": fc_b}


def reference(inputs, emb_table, fc_w, fc_b):
    # Embedding lookup: [B, L] -> [B, L, D]
    x = jnp.take(emb_table, inputs, axis=0)
    # CBOW mean pooling over context window: [B, D]
    x = jnp.mean(x, axis=1)
    # Dense projection to vocab with softmax activation
    logits = jnp.dot(x, fc_w) + fc_b
    return jax.nn.softmax(logits, axis=-1)

if __name__ == "__main__":
    import jax
    _d = setup_inputs()
    print(jax.jit(kernel)(*tuple(_d.values())))

</pallas_src>

<mosaic_0001>
#map = affine_map<(d0, d1) -> (0, 0, 0)>
#map1 = affine_map<(d0, d1) -> (0, 0)>
module attributes {stable_mosaic.version = 14 : i64} {
  func.func @pool_k(%arg0: i32, %arg1: i32, %arg2: memref<32x5x128xi32, #tpu.memory_space<hbm>>, %arg3: memref<100000x32xf32, #tpu.memory_space<hbm>>, %arg4: memref<1024x32xf32, #tpu.memory_space<hbm>>, %arg5: memref<5x128xi32, #tpu.memory_space<vmem>>, %arg6: memref<640x32xf32, #tpu.memory_space<vmem>>, %arg7: memref<32x32xf32, #tpu.memory_space<vmem>>, %arg8: memref<!tpu.dma_semaphore, #tpu.memory_space<semaphore_mem>>) attributes {dimension_semantics = [#tpu.dimension_semantics<core_parallel>, #tpu.dimension_semantics<subcore_parallel>], iteration_bounds = array<i64: 2, 16>, scalar_prefetch = 0 : i64, scratch_operands = 4 : i64, tpu.core_type = #tpu.core_type<sc_vector_subcore>, window_params = [{transform_indices = #map}, {transform_indices = #map1}, {transform_indices = #map1}]} {
    %mul3A = arith.constant 2 : i32
    %mul3A_0 = arith.muli %arg1, %mul3A : i32
    %add3A = arith.addi %mul3A_0, %arg0 : i32
    "tpu.region"() ({
      %run_scoped3A = tpu.sem_alloc : memref<!tpu.dma_semaphore, #tpu.memory_space<semaphore_mem>>
      %dma_start3A_108 = arith.constant 0 : i32
      %dma_start3A_109 = arith.constant 0 : i32
      %dma_start3A_110 = tpu.memref_slice %arg2[%add3A, %dma_start3A_108, %dma_start3A_109] : memref<32x5x128xi32, #tpu.memory_space<hbm>> -> memref<1x5x128xi32, #tpu.memory_space<hbm>>
      %dma_start3A_111 = tpu.memref_squeeze %dma_start3A_110 : memref<1x5x128xi32, #tpu.memory_space<hbm>> -> memref<5x128xi32, #tpu.memory_space<hbm>>
      %dma_start3A_112 = arith.constant 0 : i32
      %dma_start3A_113 = arith.constant 0 : i32
      %dma_start3A_114 = tpu.memref_slice %arg2[%add3A, %dma_start3A_112, %dma_start3A_113] : memref<32x5x128xi32, #tpu.memory_space<hbm>> -> memref<1x5x128xi32, #tpu.memory_space<hbm>>
      %dma_start3A_115 = tpu.memref_squeeze %dma_start3A_114 : memref<1x5x128xi32, #tpu.memory_space<hbm>> -> memref<5x128xi32, #tpu.memory_space<hbm>>
      tpu.enqueue_dma source(%dma_start3A_115 : memref<5x128xi32, #tpu.memory_space<hbm>>) target(%arg5 : memref<5x128xi32, #tpu.memory_space<vmem>>) target_semaphore(%run_scoped3A : memref<!tpu.dma_semaphore, #tpu.memory_space<semaphore_mem>>)
      %dma_wait3A_116 = arith.constant 0 : i32
      %dma_wait3A_117 = arith.constant 0 : i32
      %dma_wait3A_118 = tpu.memref_slice %arg2[%add3A, %dma_wait3A_116, %dma_wait3A_117] : memref<32x5x128xi32, #tpu.memory_space<hbm>> -> memref<1x5x128xi32, #tpu.memory_space<hbm>>
      %dma_wait3A_119 = tpu.memref_squeeze %dma_wait3A_118 : memref<1x5x128xi32, #tpu.memory_space<hbm>> -> memref<5x128xi32, #tpu.memory_space<hbm>>
      %dma_wait3A_120 = arith.constant 0 : i32
      %dma_wait3A_121 = arith.constant 0 : i32
      %dma_wait3A_122 = tpu.memref_slice %arg2[%add3A, %dma_wait3A_120, %dma_wait3A_121] : memref<32x5x128xi32, #tpu.memory_space<hbm>> -> memref<1x5x128xi32, #tpu.memory_space<hbm>>
      %dma_wait3A_123 = tpu.memref_squeeze %dma_wait3A_122 : memref<1x5x128xi32, #tpu.memory_space<hbm>> -> memref<5x128xi32, #tpu.memory_space<hbm>>
      tpu.wait_dma2 semaphore(%run_scoped3A : memref<!tpu.dma_semaphore, #tpu.memory_space<semaphore_mem>>) src(%dma_wait3A_123 : memref<5x128xi32, #tpu.memory_space<hbm>>) dst(%arg5 : memref<5x128xi32, #tpu.memory_space<vmem>>)
      tpu.yield
    }) : () -> ()
    %dma_start3A = arith.constant 0 : i32
    %dma_start3A_1 = arith.constant 0 : i32
    %dma_start3A_2 = arith.constant 0 : i32
    %dma_start3A_3 = tpu.memref_slice %arg6[%dma_start3A_1, %dma_start3A_2] : memref<640x32xf32, #tpu.memory_space<vmem>> -> memref<128x32xf32, #tpu.memory_space<vmem>>
    %dma_start3A_4 = arith.constant 0 : i32
    %dma_start3A_5 = tpu.memref_slice %arg5[%dma_start3A, %dma_start3A_4] : memref<5x128xi32, #tpu.memory_space<vmem>> -> memref<1x128xi32, #tpu.memory_space<vmem>>
    %dma_start3A_6 = tpu.memref_squeeze %dma_start3A_5 : memref<1x128xi32, #tpu.memory_space<vmem>> -> memref<128xi32, #tpu.memory_space<vmem>>
    %dma_start3A_7 = arith.constant 0 : i32
    %dma_start3A_8 = arith.constant 0 : i32
    %dma_start3A_9 = tpu.memref_slice %arg3[%dma_start3A_7, %dma_start3A_8] : memref<100000x32xf32, #tpu.memory_space<hbm>> -> memref<100000x32xf32, #tpu.memory_space<hbm>>
    tpu.enqueue_indirect_dma source(%dma_start3A_9 : memref<100000x32xf32, #tpu.memory_space<hbm>>) target(%dma_start3A_3 : memref<128x32xf32, #tpu.memory_space<vmem>>) offsets(%dma_start3A_6 : memref<128xi32, #tpu.memory_space<vmem>>) semaphore(%arg8 : memref<!tpu.dma_semaphore, #tpu.memory_space<semaphore_mem>>)
    %dma_start3A_10 = arith.constant 1 : i32
    %dma_start3A_11 = arith.constant 128 : i32
    %dma_start3A_12 = arith.constant 0 : i32
    %dma_start3A_13 = tpu.memref_slice %arg6[%dma_start3A_11, %dma_start3A_12] : memref<640x32xf32, #tpu.memory_space<vmem>> -> memref<128x32xf32, #tpu.memory_space<vmem>>
    %dma_start3A_14 = arith.constant 0 : i32
    %dma_start3A_15 = tpu.memref_slice %arg5[%dma_start3A_10, %dma_start3A_14] : memref<5x128xi32, #tpu.memory_space<vmem>> -> memref<1x128xi32, #tpu.memory_space<vmem>>
    %dma_start3A_16 = tpu.memref_squeeze %dma_start3A_15 : memref<1x128xi32, #tpu.memory_space<vmem>> -> memref<128xi32, #tpu.memory_space<vmem>>
    %dma_start3A_17 = arith.constant 0 : i32
    %dma_start3A_18 = arith.constant 0 : i32
    %dma_start3A_19 = tpu.memref_slice %arg3[%dma_start3A_17, %dma_start3A_18] : memref<100000x32xf32, #tpu.memory_space<hbm>> -> memref<100000x32xf32, #tpu.memory_space<hbm>>
    tpu.enqueue_indirect_dma source(%dma_start3A_19 : memref<100000x32xf32, #tpu.memory_space<hbm>>) target(%dma_start3A_13 : memref<128x32xf32, #tpu.memory_space<vmem>>) offsets(%dma_start3A_16 : memref<128xi32, #tpu.memory_space<vmem>>) semaphore(%arg8 : memref<!tpu.dma_semaphore, #tpu.memory_space<semaphore_mem>>)
    %dma_start3A_20 = arith.constant 2 : i32
    %dma_start3A_21 = arith.constant 256 : i32
    %dma_start3A_22 = arith.constant 0 : i32
    %dma_start3A_23 = tpu.memref_slice %arg6[%dma_start3A_21, %dma_start3A_22] : memref<640x32xf32, #tpu.memory_space<vmem>> -> memref<128x32xf32, #tpu.memory_space<vmem>>
    %dma_start3A_24 = arith.constant 0 : i32
    %dma_start3A_25 = tpu.memref_slice %arg5[%dma_start3A_20, %dma_start3A_24] : memref<5x128xi32, #tpu.memory_space<vmem>> -> memref<1x128xi32, #tpu.memory_space<vmem>>
    %dma_start3A_26 = tpu.memref_squeeze %dma_start3A_25 : memref<1x128xi32, #tpu.memory_space<vmem>> -> memref<128xi32, #tpu.memory_space<vmem>>
    %dma_start3A_27 = arith.constant 0 : i32
    %dma_start3A_28 = arith.constant 0 : i32
    %dma_start3A_29 = tpu.memref_slice %arg3[%dma_start3A_27, %dma_start3A_28] : memref<100000x32xf32, #tpu.memory_space<hbm>> -> memref<100000x32xf32, #tpu.memory_space<hbm>>
    tpu.enqueue_indirect_dma source(%dma_start3A_29 : memref<100000x32xf32, #tpu.memory_space<hbm>>) target(%dma_start3A_23 : memref<128x32xf32, #tpu.memory_space<vmem>>) offsets(%dma_start3A_26 : memref<128xi32, #tpu.memory_space<vmem>>) semaphore(%arg8 : memref<!tpu.dma_semaphore, #tpu.memory_space<semaphore_mem>>)
    %dma_start3A_30 = arith.constant 3 : i32
    %dma_start3A_31 = arith.constant 384 : i32
    %dma_start3A_32 = arith.constant 0 : i32
    %dma_start3A_33 = tpu.memref_slice %arg6[%dma_start3A_31, %dma_start3A_32] : memref<640x32xf32, #tpu.memory_space<vmem>> -> memref<128x32xf32, #tpu.memory_space<vmem>>
    %dma_start3A_34 = arith.constant 0 : i32
    %dma_start3A_35 = tpu.memref_slice %arg5[%dma_start3A_30, %dma_start3A_34] : memref<5x128xi32, #tpu.memory_space<vmem>> -> memref<1x128xi32, #tpu.memory_space<vmem>>
    %dma_start3A_36 = tpu.memref_squeeze %dma_start3A_35 : memref<1x128xi32, #tpu.memory_space<vmem>> -> memref<128xi32, #tpu.memory_space<vmem>>
    %dma_start3A_37 = arith.constant 0 : i32
    %dma_start3A_38 = arith.constant 0 : i32
    %dma_start3A_39 = tpu.memref_slice %arg3[%dma_start3A_37, %dma_start3A_38] : memref<100000x32xf32, #tpu.memory_space<hbm>> -> memref<100000x32xf32, #tpu.memory_space<hbm>>
    tpu.enqueue_indirect_dma source(%dma_start3A_39 : memref<100000x32xf32, #tpu.memory_space<hbm>>) target(%dma_start3A_33 : memref<128x32xf32, #tpu.memory_space<vmem>>) offsets(%dma_start3A_36 : memref<128xi32, #tpu.memory_space<vmem>>) semaphore(%arg8 : memref<!tpu.dma_semaphore, #tpu.memory_space<semaphore_mem>>)
    %dma_start3A_40 = arith.constant 4 : i32
    %dma_start3A_41 = arith.constant 512 : i32
    %dma_start3A_42 = arith.constant 0 : i32
    %dma_start3A_43 = tpu.memref_slice %arg6[%dma_start3A_41, %dma_start3A_42] : memref<640x32xf32, #tpu.memory_space<vmem>> -> memref<128x32xf32, #tpu.memory_space<vmem>>
    %dma_start3A_44 = arith.constant 0 : i32
    %dma_start3A_45 = tpu.memref_slice %arg5[%dma_start3A_40, %dma_start3A_44] : memref<5x128xi32, #tpu.memory_space<vmem>> -> memref<1x128xi32, #tpu.memory_space<vmem>>
    %dma_start3A_46 = tpu.memref_squeeze %dma_start3A_45 : memref<1x128xi32, #tpu.memory_space<vmem>> -> memref<128xi32, #tpu.memory_space<vmem>>
    %dma_start3A_47 = arith.constant 0 : i32
    %dma_start3A_48 = arith.constant 0 : i32
    %dma_start3A_49 = tpu.memref_slice %arg3[%dma_start3A_47, %dma_start3A_48] : memref<100000x32xf32, #tpu.memory_space<hbm>> -> memref<100000x32xf32, #tpu.memory_space<hbm>>
    tpu.enqueue_indirect_dma source(%dma_start3A_49 : memref<100000x32xf32, #tpu.memory_space<hbm>>) target(%dma_start3A_43 : memref<128x32xf32, #tpu.memory_space<vmem>>) offsets(%dma_start3A_46 : memref<128xi32, #tpu.memory_space<vmem>>) semaphore(%arg8 : memref<!tpu.dma_semaphore, #tpu.memory_space<semaphore_mem>>)
    %dma_wait3A = arith.constant 0 : i32
    %dma_wait3A_50 = arith.constant 0 : i32
    %dma_wait3A_51 = arith.constant 0 : i32
    %dma_wait3A_52 = tpu.memref_slice %arg6[%dma_wait3A_50, %dma_wait3A_51] : memref<640x32xf32, #tpu.memory_space<vmem>> -> memref<128x32xf32, #tpu.memory_space<vmem>>
    %dma_wait3A_53 = arith.constant 0 : i32
    %dma_wait3A_54 = tpu.memref_slice %arg5[%dma_wait3A, %dma_wait3A_53] : memref<5x128xi32, #tpu.memory_space<vmem>> -> memref<1x128xi32, #tpu.memory_space<vmem>>
    %dma_wait3A_55 = tpu.memref_squeeze %dma_wait3A_54 : memref<1x128xi32, #tpu.memory_space<vmem>> -> memref<128xi32, #tpu.memory_space<vmem>>
    %dma_wait3A_56 = arith.constant 0 : i32
    %dma_wait3A_57 = arith.constant 0 : i32
    %dma_wait3A_58 = tpu.memref_slice %arg3[%dma_wait3A_56, %dma_wait3A_57] : memref<100000x32xf32, #tpu.memory_space<hbm>> -> memref<100000x32xf32, #tpu.memory_space<hbm>>
    tpu.wait_indirect_dma semaphore(%arg8 : memref<!tpu.dma_semaphore, #tpu.memory_space<semaphore_mem>>) src(%dma_wait3A_58 : memref<100000x32xf32, #tpu.memory_space<hbm>>) dst(%dma_wait3A_52 : memref<128x32xf32, #tpu.memory_space<vmem>>)
    %dma_wait3A_59 = arith.constant 1 : i32
    %dma_wait3A_60 = arith.constant 128 : i32
    %dma_wait3A_61 = arith.constant 0 : i32
    %dma_wait3A_62 = tpu.memref_slice %arg6[%dma_wait3A_60, %dma_wait3A_61] : memref<640x32xf32, #tpu.memory_space<vmem>> -> memref<128x32xf32, #tpu.memory_space<vmem>>
    %dma_wait3A_63 = arith.constant 0 : i32
    %dma_wait3A_64 = tpu.memref_slice %arg5[%dma_wait3A_59, %dma_wait3A_63] : memref<5x128xi32, #tpu.memory_space<vmem>> -> memref<1x128xi32, #tpu.memory_space<vmem>>
    %dma_wait3A_65 = tpu.memref_squeeze %dma_wait3A_64 : memref<1x128xi32, #tpu.memory_space<vmem>> -> memref<128xi32, #tpu.memory_space<vmem>>
    %dma_wait3A_66 = arith.constant 0 : i32
    %dma_wait3A_67 = arith.constant 0 : i32
    %dma_wait3A_68 = tpu.memref_slice %arg3[%dma_wait3A_66, %dma_wait3A_67] : memref<100000x32xf32, #tpu.memory_space<hbm>> -> memref<100000x32xf32, #tpu.memory_space<hbm>>
    tpu.wait_indirect_dma semaphore(%arg8 : memref<!tpu.dma_semaphore, #tpu.memory_space<semaphore_mem>>) src(%dma_wait3A_68 : memref<100000x32xf32, #tpu.memory_space<hbm>>) dst(%dma_wait3A_62 : memref<128x32xf32, #tpu.memory_space<vmem>>)
    %dma_wait3A_69 = arith.constant 2 : i32
    %dma_wait3A_70 = arith.constant 256 : i32
    %dma_wait3A_71 = arith.constant 0 : i32
    %dma_wait3A_72 = tpu.memref_slice %arg6[%dma_wait3A_70, %dma_wait3A_71] : memref<640x32xf32, #tpu.memory_space<vmem>> -> memref<128x32xf32, #tpu.memory_space<vmem>>
    %dma_wait3A_73 = arith.constant 0 : i32
    %dma_wait3A_74 = tpu.memref_slice %arg5[%dma_wait3A_69, %dma_wait3A_73] : memref<5x128xi32, #tpu.memory_space<vmem>> -> memref<1x128xi32, #tpu.memory_space<vmem>>
    %dma_wait3A_75 = tpu.memref_squeeze %dma_wait3A_74 : memref<1x128xi32, #tpu.memory_space<vmem>> -> memref<128xi32, #tpu.memory_space<vmem>>
    %dma_wait3A_76 = arith.constant 0 : i32
    %dma_wait3A_77 = arith.constant 0 : i32
    %dma_wait3A_78 = tpu.memref_slice %arg3[%dma_wait3A_76, %dma_wait3A_77] : memref<100000x32xf32, #tpu.memory_space<hbm>> -> memref<100000x32xf32, #tpu.memory_space<hbm>>
    tpu.wait_indirect_dma semaphore(%arg8 : memref<!tpu.dma_semaphore, #tpu.memory_space<semaphore_mem>>) src(%dma_wait3A_78 : memref<100000x32xf32, #tpu.memory_space<hbm>>) dst(%dma_wait3A_72 : memref<128x32xf32, #tpu.memory_space<vmem>>)
    %dma_wait3A_79 = arith.constant 3 : i32
    %dma_wait3A_80 = arith.constant 384 : i32
    %dma_wait3A_81 = arith.constant 0 : i32
    %dma_wait3A_82 = tpu.memref_slice %arg6[%dma_wait3A_80, %dma_wait3A_81] : memref<640x32xf32, #tpu.memory_space<vmem>> -> memref<128x32xf32, #tpu.memory_space<vmem>>
    %dma_wait3A_83 = arith.constant 0 : i32
    %dma_wait3A_84 = tpu.memref_slice %arg5[%dma_wait3A_79, %dma_wait3A_83] : memref<5x128xi32, #tpu.memory_space<vmem>> -> memref<1x128xi32, #tpu.memory_space<vmem>>
    %dma_wait3A_85 = tpu.memref_squeeze %dma_wait3A_84 : memref<1x128xi32, #tpu.memory_space<vmem>> -> memref<128xi32, #tpu.memory_space<vmem>>
    %dma_wait3A_86 = arith.constant 0 : i32
    %dma_wait3A_87 = arith.constant 0 : i32
    %dma_wait3A_88 = tpu.memref_slice %arg3[%dma_wait3A_86, %dma_wait3A_87] : memref<100000x32xf32, #tpu.memory_space<hbm>> -> memref<100000x32xf32, #tpu.memory_space<hbm>>
    tpu.wait_indirect_dma semaphore(%arg8 : memref<!tpu.dma_semaphore, #tpu.memory_space<semaphore_mem>>) src(%dma_wait3A_88 : memref<100000x32xf32, #tpu.memory_space<hbm>>) dst(%dma_wait3A_82 : memref<128x32xf32, #tpu.memory_space<vmem>>)
    %dma_wait3A_89 = arith.constant 4 : i32
    %dma_wait3A_90 = arith.constant 512 : i32
    %dma_wait3A_91 = arith.constant 0 : i32
    %dma_wait3A_92 = tpu.memref_slice %arg6[%dma_wait3A_90, %dma_wait3A_91] : memref<640x32xf32, #tpu.memory_space<vmem>> -> memref<128x32xf32, #tpu.memory_space<vmem>>
    %dma_wait3A_93 = arith.constant 0 : i32
    %dma_wait3A_94 = tpu.memref_slice %arg5[%dma_wait3A_89, %dma_wait3A_93] : memref<5x128xi32, #tpu.memory_space<vmem>> -> memref<1x128xi32, #tpu.memory_space<vmem>>
    %dma_wait3A_95 = tpu.memref_squeeze %dma_wait3A_94 : memref<1x128xi32, #tpu.memory_space<vmem>> -> memref<128xi32, #tpu.memory_space<vmem>>
    %dma_wait3A_96 = arith.constant 0 : i32
    %dma_wait3A_97 = arith.constant 0 : i32
    %dma_wait3A_98 = tpu.memref_slice %arg3[%dma_wait3A_96, %dma_wait3A_97] : memref<100000x32xf32, #tpu.memory_space<hbm>> -> memref<100000x32xf32, #tpu.memory_space<hbm>>
    tpu.wait_indirect_dma semaphore(%arg8 : memref<!tpu.dma_semaphore, #tpu.memory_space<semaphore_mem>>) src(%dma_wait3A_98 : memref<100000x32xf32, #tpu.memory_space<hbm>>) dst(%dma_wait3A_92 : memref<128x32xf32, #tpu.memory_space<vmem>>)
    %scan3A = arith.constant 5.000000e-02 : f32
    %scan3A_99 = arith.constant 0 : i32
    %scan3A_100 = arith.constant 0 : i32
    %scan3A_101 = arith.constant 32 : i32
    %scan3A_102 = arith.addi %scan3A_100, %scan3A_101 : i32
    %scan3A_103 = arith.constant 1 : i32
    %scan3A_104 = scf.for %scan3A_108 = %scan3A_100 to %scan3A_102 step %scan3A_103 iter_args(%scan3A_109 = %scan3A_99) -> (i32)  : i32 {
      %mul3A_110 = arith.constant 20 : i32
      %mul3A_111 = arith.muli %scan3A_108, %mul3A_110 : i32
      %broadcast_in_dim3A = arith.constant 0.000000e+00 : f32
      %broadcast_in_dim3A_112 = vector.broadcast %broadcast_in_dim3A : f32 to vector<16xf32>
      %add3A_113 = arith.constant 0 : i32
      %add3A_114 = arith.addi %mul3A_111, %add3A_113 : i32
      %get3A = arith.index_cast %add3A_114 : i32 to index
      %get3A_115 = arith.constant 0 : index
      %get3A_116 = tpu.vector_load %arg6[%get3A, %get3A_115] {strides = array<i32>} : memref<640x32xf32, #tpu.memory_space<vmem>>, vector<1x16xf32>,
      %get3A_117 = vector.shape_cast %get3A_116 : vector<1x16xf32> to vector<16xf32>
      %add3A_118 = arith.addf %broadcast_in_dim3A_112, %get3A_117 : vector<16xf32>
      %add3A_119 = arith.constant 1 : i32
      %add3A_120 = arith.addi %mul3A_111, %add3A_119 : i32
      %get3A_121 = arith.index_cast %add3A_120 : i32 to index
      %get3A_122 = arith.constant 0 : index
      %get3A_123 = tpu.vector_load %arg6[%get3A_121, %get3A_122] {strides = array<i32>} : memref<640x32xf32, #tpu.memory_space<vmem>>, vector<1x16xf32>,
      %get3A_124 = vector.shape_cast %get3A_123 : vector<1x16xf32> to vector<16xf32>
      %add3A_125 = arith.addf %add3A_118, %get3A_124 : vector<16xf32>
      %add3A_126 = arith.constant 2 : i32
      %add3A_127 = arith.addi %mul3A_111, %add3A_126 : i32
      %get3A_128 = arith.index_cast %add3A_127 : i32 to index
      %get3A_129 = arith.constant 0 : index
      %get3A_130 = tpu.vector_load %arg6[%get3A_128, %get3A_129] {strides = array<i32>} : memref<640x32xf32, #tpu.memory_space<vmem>>, vector<1x16xf32>,
      %get3A_131 = vector.shape_cast %get3A_130 : vector<1x16xf32> to vector<16xf32>
      %add3A_132 = arith.addf %add3A_125, %get3A_131 : vector<16xf32>
      %add3A_133 = arith.constant 3 : i32
      %add3A_134 = arith.addi %mul3A_111, %add3A_133 : i32
      %get3A_135 = arith.index_cast %add3A_134 : i32 to index
      %get3A_136 = arith.constant 0 : index
      %get3A_137 = tpu.vector_load %arg6[%get3A_135, %get3A_136] {strides = array<i32>} : memref<640x32xf32, #tpu.memory_space<vmem>>, vector<1x16xf32>,
      %get3A_138 = vector.shape_cast %get3A_137 : vector<1x16xf32> to vector<16xf32>
      %add3A_139 = arith.addf %add3A_132, %get3A_138 : vector<16xf32>
      %add3A_140 = arith.constant 4 : i32
      %add3A_141 = arith.addi %mul3A_111, %add3A_140 : i32
      %get3A_142 = arith.index_cast %add3A_141 : i32 to index
      %get3A_143 = arith.constant 0 : index
      %get3A_144 = tpu.vector_load %arg6[%get3A_142, %get3A_143] {strides = array<i32>} : memref<640x32xf32, #tpu.memory_space<vmem>>, vector<1x16xf32>,
      %get3A_145 = vector.shape_cast %get3A_144 : vector<1x16xf32> to vector<16xf32>
      %add3A_146 = arith.addf %add3A_139, %get3A_145 : vector<16xf32>
      %add3A_147 = arith.constant 5 : i32
      %add3A_148 = arith.addi %mul3A_111, %add3A_147 : i32
      %get3A_149 = arith.index_cast %add3A_148 : i32 to index
      %get3A_150 = arith.constant 0 : index
      %get3A_151 = tpu.vector_load %arg6[%get3A_149, %get3A_150] {strides = array<i32>} : memref<640x32xf32, #tpu.memory_space<vmem>>, vector<1x16xf32>,
      %get3A_152 = vector.shape_cast %get3A_151 : vector<1x16xf32> to vector<16xf32>
      %add3A_153 = arith.addf %add3A_146, %get3A_152 : vector<16xf32>
      %add3A_154 = arith.constant 6 : i32
      %add3A_155 = arith.addi %mul3A_111, %add3A_154 : i32
      %get3A_156 = arith.index_cast %add3A_155 : i32 to index
      %get3A_157 = arith.constant 0 : index
      %get3A_158 = tpu.vector_load %arg6[%get3A_156, %get3A_157] {strides = array<i32>} : memref<640x32xf32, #tpu.memory_space<vmem>>, vector<1x16xf32>,
      %get3A_159 = vector.shape_cast %get3A_158 : vector<1x16xf32> to vector<16xf32>
      %add3A_160 = arith.addf %add3A_153, %get3A_159 : vector<16xf32>
      %add3A_161 = arith.constant 7 : i32
      %add3A_162 = arith.addi %mul3A_111, %add3A_161 : i32
      %get3A_163 = arith.index_cast %add3A_162 : i32 to index
      %get3A_164 = arith.constant 0 : index
      %get3A_165 = tpu.vector_load %arg6[%get3A_163, %get3A_164] {strides = array<i32>} : memref<640x32xf32, #tpu.memory_space<vmem>>, vector<1x16xf32>,
      %get3A_166 = vector.shape_cast %get3A_165 : vector<1x16xf32> to vector<16xf32>
      %add3A_167 = arith.addf %add3A_160, %get3A_166 : vector<16xf32>
      %add3A_168 = arith.constant 8 : i32
      %add3A_169 = arith.addi %mul3A_111, %add3A_168 : i32
      %get3A_170 = arith.index_cast %add3A_169 : i32 to index
      %get3A_171 = arith.constant 0 : index
      %get3A_172 = tpu.vector_load %arg6[%get3A_170, %get3A_171] {strides = array<i32>} : memref<640x32xf32, #tpu.memory_space<vmem>>, vector<1x16xf32>,
      %get3A_173 = vector.shape_cast %get3A_172 : vector<1x16xf32> to vector<16xf32>
      %add3A_174 = arith.addf %add3A_167, %get3A_173 : vector<16xf32>
      %add3A_175 = arith.constant 9 : i32
      %add3A_176 = arith.addi %mul3A_111, %add3A_175 : i32
      %get3A_177 = arith.index_cast %add3A_176 : i32 to index
      %get3A_178 = arith.constant 0 : index
      %get3A_179 = tpu.vector_load %arg6[%get3A_177, %get3A_178] {strides = array<i32>} : memref<640x32xf32, #tpu.memory_space<vmem>>, vector<1x16xf32>,
      %get3A_180 = vector.shape_cast %get3A_179 : vector<1x16xf32> to vector<16xf32>
      %add3A_181 = arith.addf %add3A_174, %get3A_180 : vector<16xf32>
      %add3A_182 = arith.constant 10 : i32
      %add3A_183 = arith.addi %mul3A_111, %add3A_182 : i32
      %get3A_184 = arith.index_cast %add3A_183 : i32 to index
      %get3A_185 = arith.constant 0 : index
      %get3A_186 = tpu.vector_load %arg6[%get3A_184, %get3A_185] {strides = array<i32>} : memref<640x32xf32, #tpu.memory_space<vmem>>, vector<1x16xf32>,
      %get3A_187 = vector.shape_cast %get3A_186 : vector<1x16xf32> to vector<16xf32>
      %add3A_188 = arith.addf %add3A_181, %get3A_187 : vector<16xf32>
      %add3A_189 = arith.constant 11 : i32
      %add3A_190 = arith.addi %mul3A_111, %add3A_189 : i32
      %get3A_191 = arith.index_cast %add3A_190 : i32 to index
      %get3A_192 = arith.constant 0 : index
      %get3A_193 = tpu.vector_load %arg6[%get3A_191, %get3A_192] {strides = array<i32>} : memref<640x32xf32, #tpu.memory_space<vmem>>, vector<1x16xf32>,
      %get3A_194 = vector.shape_cast %get3A_193 : vector<1x16xf32> to vector<16xf32>
      %add3A_195 = arith.addf %add3A_188, %get3A_194 : vector<16xf32>
      %add3A_196 = arith.constant 12 : i32
      %add3A_197 = arith.addi %mul3A_111, %add3A_196 : i32
      %get3A_198 = arith.index_cast %add3A_197 : i32 to index
      %get3A_199 = arith.constant 0 : index
      %get3A_200 = tpu.vector_load %arg6[%get3A_198, %get3A_199] {strides = array<i32>} : memref<640x32xf32, #tpu.memory_space<vmem>>, vector<1x16xf32>,
      %get3A_201 = vector.shape_cast %get3A_200 : vector<1x16xf32> to vector<16xf32>
      %add3A_202 = arith.addf %add3A_195, %get3A_201 : vector<16xf32>
      %add3A_203 = arith.constant 13 : i32
      %add3A_204 = arith.addi %mul3A_111, %add3A_203 : i32
      %get3A_205 = arith.index_cast %add3A_204 : i32 to index
      %get3A_206 = arith.constant 0 : index
      %get3A_207 = tpu.vector_load %arg6[%get3A_205, %get3A_206] {strides = array<i32>} : memref<640x32xf32, #tpu.memory_space<vmem>>, vector<1x16xf32>,
      %get3A_208 = vector.shape_cast %get3A_207 : vector<1x16xf32> to vector<16xf32>
      %add3A_209 = arith.addf %add3A_202, %get3A_208 : vector<16xf32>
      %add3A_210 = arith.constant 14 : i32
      %add3A_211 = arith.addi %mul3A_111, %add3A_210 : i32
      %get3A_212 = arith.index_cast %add3A_211 : i32 to index
      %get3A_213 = arith.constant 0 : index
      %get3A_214 = tpu.vector_load %arg6[%get3A_212, %get3A_213] {strides = array<i32>} : memref<640x32xf32, #tpu.memory_space<vmem>>, vector<1x16xf32>,
      %get3A_215 = vector.shape_cast %get3A_214 : vector<1x16xf32> to vector<16xf32>
      %add3A_216 = arith.addf %add3A_209, %get3A_215 : vector<16xf32>
      %add3A_217 = arith.constant 15 : i32
      %add3A_218 = arith.addi %mul3A_111, %add3A_217 : i32
      %get3A_219 = arith.index_cast %add3A_218 : i32 to index
      %get3A_220 = arith.constant 0 : index
      %get3A_221 = tpu.vector_load %arg6[%get3A_219, %get3A_220] {strides = array<i32>} : memref<640x32xf32, #tpu.memory_space<vmem>>, vector<1x16xf32>,
      %get3A_222 = vector.shape_cast %get3A_221 : vector<1x16xf32> to vector<16xf32>
      %add3A_223 = arith.addf %add3A_216, %get3A_222 : vector<16xf32>
      %add3A_224 = arith.constant 16 : i32
      %add3A_225 = arith.addi %mul3A_111, %add3A_224 : i32
      %get3A_226 = arith.index_cast %add3A_225 : i32 to index
      %get3A_227 = arith.constant 0 : index
      %get3A_228 = tpu.vector_load %arg6[%get3A_226, %get3A_227] {strides = array<i32>} : memref<640x32xf32, #tpu.memory_space<vmem>>, vector<1x16xf32>,
      %get3A_229 = vector.shape_cast %get3A_228 : vector<1x16xf32> to vector<16xf32>
      %add3A_230 = arith.addf %add3A_223, %get3A_229 : vector<16xf32>
      %add3A_231 = arith.constant 17 : i32
      %add3A_232 = arith.addi %mul3A_111, %add3A_231 : i32
      %get3A_233 = arith.index_cast %add3A_232 : i32 to index
      %get3A_234 = arith.constant 0 : index
      %get3A_235 = tpu.vector_load %arg6[%get3A_233, %get3A_234] {strides = array<i32>} : memref<640x32xf32, #tpu.memory_space<vmem>>, vector<1x16xf32>,
      %get3A_236 = vector.shape_cast %get3A_235 : vector<1x16xf32> to vector<16xf32>
      %add3A_237 = arith.addf %add3A_230, %get3A_236 : vector<16xf32>
      %add3A_238 = arith.constant 18 : i32
      %add3A_239 = arith.addi %mul3A_111, %add3A_238 : i32
      %get3A_240 = arith.index_cast %add3A_239 : i32 to index
      %get3A_241 = arith.constant 0 : index
      %get3A_242 = tpu.vector_load %arg6[%get3A_240, %get3A_241] {strides = array<i32>} : memref<640x32xf32, #tpu.memory_space<vmem>>, vector<1x16xf32>,
      %get3A_243 = vector.shape_cast %get3A_242 : vector<1x16xf32> to vector<16xf32>
      %add3A_244 = arith.addf %add3A_237, %get3A_243 : vector<16xf32>
      %add3A_245 = arith.constant 19 : i32
      %add3A_246 = arith.addi %mul3A_111, %add3A_245 : i32
      %get3A_247 = arith.index_cast %add3A_246 : i32 to index
      %get3A_248 = arith.constant 0 : index
      %get3A_249 = tpu.vector_load %arg6[%get3A_247, %get3A_248] {strides = array<i32>} : memref<640x32xf32, #tpu.memory_space<vmem>>, vector<1x16xf32>,
      %get3A_250 = vector.shape_cast %get3A_249 : vector<1x16xf32> to vector<16xf32>
      %add3A_251 = arith.addf %add3A_244, %get3A_250 : vector<16xf32>
      %mul3A_252 = vector.broadcast %scan3A : f32 to vector<16xf32>
      %mul3A_253 = arith.mulf %add3A_251, %mul3A_252 : vector<16xf32>
      %swap3A = arith.index_cast %scan3A_108 : i32 to index
      %swap3A_254 = arith.constant 0 : index
      %swap3A_255 = tpu.vector_load %arg7[%swap3A, %swap3A_254] {strides = array<i32>} : memref<32x32xf32, #tpu.memory_space<vmem>>, vector<1x16xf32>,
      %swap3A_256 = vector.shape_cast %swap3A_255 : vector<1x16xf32> to vector<16xf32>
      %swap3A_257 = vector.shape_cast %mul3A_253 : vector<16xf32> to vector<1x16xf32>
      tpu.vector_store %arg7[%swap3A, %swap3A_254], %swap3A_257 {strides = array<i32>} : memref<32x32xf32, #tpu.memory_space<vmem>>, vector<1x16xf32>,
      %broadcast_in_dim3A_258 = arith.constant 0.000000e+00 : f32
      %broadcast_in_dim3A_259 = vector.broadcast %broadcast_in_dim3A_258 : f32 to vector<16xf32>
      %add3A_260 = arith.constant 0 : i32
      %add3A_261 = arith.addi %mul3A_111, %add3A_260 : i32
      %get3A_262 = arith.index_cast %add3A_261 : i32 to index
      %get3A_263 = arith.constant 16 : index
      %get3A_264 = tpu.vector_load %arg6[%get3A_262, %get3A_263] {strides = array<i32>} : memref<640x32xf32, #tpu.memory_space<vmem>>, vector<1x16xf32>,
      %get3A_265 = vector.shape_cast %get3A_264 : vector<1x16xf32> to vector<16xf32>
      %add3A_266 = arith.addf %broadcast_in_dim3A_259, %get3A_265 : vector<16xf32>
      %add3A_267 = arith.constant 1 : i32
      %add3A_268 = arith.addi %mul3A_111, %add3A_267 : i32
      %get3A_269 = arith.index_cast %add3A_268 : i32 to index
      %get3A_270 = arith.constant 16 : index
      %get3A_271 = tpu.vector_load %arg6[%get3A_269, %get3A_270] {strides = array<i32>} : memref<640x32xf32, #tpu.memory_space<vmem>>, vector<1x16xf32>,
      %get3A_272 = vector.shape_cast %get3A_271 : vector<1x16xf32> to vector<16xf32>
      %add3A_273 = arith.addf %add3A_266, %get3A_272 : vector<16xf32>
      %add3A_274 = arith.constant 2 : i32
      %add3A_275 = arith.addi %mul3A_111, %add3A_274 : i32
      %get3A_276 = arith.index_cast %add3A_275 : i32 to index
      %get3A_277 = arith.constant 16 : index
      %get3A_278 = tpu.vector_load %arg6[%get3A_276, %get3A_277] {strides = array<i32>} : memref<640x32xf32, #tpu.memory_space<vmem>>, vector<1x16xf32>,
      %get3A_279 = vector.shape_cast %get3A_278 : vector<1x16xf32> to vector<16xf32>
      %add3A_280 = arith.addf %add3A_273, %get3A_279 : vector<16xf32>
      %add3A_281 = arith.constant 3 : i32
      %add3A_282 = arith.addi %mul3A_111, %add3A_281 : i32
      %get3A_283 = arith.index_cast %add3A_282 : i32 to index
      %get3A_284 = arith.constant 16 : index
      %get3A_285 = tpu.vector_load %arg6[%get3A_283, %get3A_284] {strides = array<i32>} : memref<640x32xf32, #tpu.memory_space<vmem>>, vector<1x16xf32>,
      %get3A_286 = vector.shape_cast %get3A_285 : vector<1x16xf32> to vector<16xf32>
      %add3A_287 = arith.addf %add3A_280, %get3A_286 : vector<16xf32>
      %add3A_288 = arith.constant 4 : i32
      %add3A_289 = arith.addi %mul3A_111, %add3A_288 : i32
      %get3A_290 = arith.index_cast %add3A_289 : i32 to index
      %get3A_291 = arith.constant 16 : index
      %get3A_292 = tpu.vector_load %arg6[%get3A_290, %get3A_291] {strides = array<i32>} : memref<640x32xf32, #tpu.memory_space<vmem>>, vector<1x16xf32>,
      %get3A_293 = vector.shape_cast %get3A_292 : vector<1x16xf32> to vector<16xf32>
      %add3A_294 = arith.addf %add3A_287, %get3A_293 : vector<16xf32>
      %add3A_295 = arith.constant 5 : i32
      %add3A_296 = arith.addi %mul3A_111, %add3A_295 : i32
      %get3A_297 = arith.index_cast %add3A_296 : i32 to index
      %get3A_298 = arith.constant 16 : index
      %get3A_299 = tpu.vector_load %arg6[%get3A_297, %get3A_298] {strides = array<i32>} : memref<640x32xf32, #tpu.memory_space<vmem>>, vector<1x16xf32>,
      %get3A_300 = vector.shape_cast %get3A_299 : vector<1x16xf32> to vector<16xf32>
      %add3A_301 = arith.addf %add3A_294, %get3A_300 : vector<16xf32>
      %add3A_302 = arith.constant 6 : i32
      %add3A_303 = arith.addi %mul3A_111, %add3A_302 : i32
      %get3A_304 = arith.index_cast %add3A_303 : i32 to index
      %get3A_305 = arith.constant 16 : index
      %get3A_306 = tpu.vector_load %arg6[%get3A_304, %get3A_305] {strides = array<i32>} : memref<640x32xf32, #tpu.memory_space<vmem>>, vector<1x16xf32>,
      %get3A_307 = vector.shape_cast %get3A_306 : vector<1x16xf32> to vector<16xf32>
      %add3A_308 = arith.addf %add3A_301, %get3A_307 : vector<16xf32>
      %add3A_309 = arith.constant 7 : i32
      %add3A_310 = arith.addi %mul3A_111, %add3A_309 : i32
      %get3A_311 = arith.index_cast %add3A_310 : i32 to index
      %get3A_312 = arith.constant 16 : index
      %get3A_313 = tpu.vector_load %arg6[%get3A_311, %get3A_312] {strides = array<i32>} : memref<640x32xf32, #tpu.memory_space<vmem>>, vector<1x16xf32>,
      %get3A_314 = vector.shape_cast %get3A_313 : vector<1x16xf32> to vector<16xf32>
      %add3A_315 = arith.addf %add3A_308, %get3A_314 : vector<16xf32>
      %add3A_316 = arith.constant 8 : i32
      %add3A_317 = arith.addi %mul3A_111, %add3A_316 : i32
      %get3A_318 = arith.index_cast %add3A_317 : i32 to index
      %get3A_319 = arith.constant 16 : index
      %get3A_320 = tpu.vector_load %arg6[%get3A_318, %get3A_319] {strides = array<i32>} : memref<640x32xf32, #tpu.memory_space<vmem>>, vector<1x16xf32>,
      %get3A_321 = vector.shape_cast %get3A_320 : vector<1x16xf32> to vector<16xf32>
      %add3A_322 = arith.addf %add3A_315, %get3A_321 : vector<16xf32>
      %add3A_323 = arith.constant 9 : i32
      %add3A_324 = arith.addi %mul3A_111, %add3A_323 : i32
      %get3A_325 = arith.index_cast %add3A_324 : i32 to index
      %get3A_326 = arith.constant 16 : index
      %get3A_327 = tpu.vector_load %arg6[%get3A_325, %get3A_326] {strides = array<i32>} : memref<640x32xf32, #tpu.memory_space<vmem>>, vector<1x16xf32>,
      %get3A_328 = vector.shape_cast %get3A_327 : vector<1x16xf32> to vector<16xf32>
      %add3A_329 = arith.addf %add3A_322, %get3A_328 : vector<16xf32>
      %add3A_330 = arith.constant 10 : i32
      %add3A_331 = arith.addi %mul3A_111, %add3A_330 : i32
      %get3A_332 = arith.index_cast %add3A_331 : i32 to index
      %get3A_333 = arith.constant 16 : index
      %get3A_334 = tpu.vector_load %arg6[%get3A_332, %get3A_333] {strides = array<i32>} : memref<640x32xf32, #tpu.memory_space<vmem>>, vector<1x16xf32>,
      %get3A_335 = vector.shape_cast %get3A_334 : vector<1x16xf32> to vector<16xf32>
      %add3A_336 = arith.addf %add3A_329, %get3A_335 : vector<16xf32>
      %add3A_337 = arith.constant 11 : i32
      %add3A_338 = arith.addi %mul3A_111, %add3A_337 : i32
      %get3A_339 = arith.index_cast %add3A_338 : i32 to index
      %get3A_340 = arith.constant 16 : index
      %get3A_341 = tpu.vector_load %arg6[%get3A_339, %get3A_340] {strides = array<i32>} : memref<640x32xf32, #tpu.memory_space<vmem>>, vector<1x16xf32>,
      %get3A_342 = vector.shape_cast %get3A_341 : vector<1x16xf32> to vector<16xf32>
      %add3A_343 = arith.addf %add3A_336, %get3A_342 : vector<16xf32>
      %add3A_344 = arith.constant 12 : i32
      %add3A_345 = arith.addi %mul3A_111, %add3A_344 : i32
      %get3A_346 = arith.index_cast %add3A_345 : i32 to index
      %get3A_347 = arith.constant 16 : index
      %get3A_348 = tpu.vector_load %arg6[%get3A_346, %get3A_347] {strides = array<i32>} : memref<640x32xf32, #tpu.memory_space<vmem>>, vector<1x16xf32>,
      %get3A_349 = vector.shape_cast %get3A_348 : vector<1x16xf32> to vector<16xf32>
      %add3A_350 = arith.addf %add3A_343, %get3A_349 : vector<16xf32>
      %add3A_351 = arith.constant 13 : i32
      %add3A_352 = arith.addi %mul3A_111, %add3A_351 : i32
      %get3A_353 = arith.index_cast %add3A_352 : i32 to index
      %get3A_354 = arith.constant 16 : index
      %get3A_355 = tpu.vector_load %arg6[%get3A_353, %get3A_354] {strides = array<i32>} : memref<640x32xf32, #tpu.memory_space<vmem>>, vector<1x16xf32>,
      %get3A_356 = vector.shape_cast %get3A_355 : vector<1x16xf32> to vector<16xf32>
      %add3A_357 = arith.addf %add3A_350, %get3A_356 : vector<16xf32>
      %add3A_358 = arith.constant 14 : i32
      %add3A_359 = arith.addi %mul3A_111, %add3A_358 : i32
      %get3A_360 = arith.index_cast %add3A_359 : i32 to index
      %get3A_361 = arith.constant 16 : index
      %get3A_362 = tpu.vector_load %arg6[%get3A_360, %get3A_361] {strides = array<i32>} : memref<640x32xf32, #tpu.memory_space<vmem>>, vector<1x16xf32>,
      %get3A_363 = vector.shape_cast %get3A_362 : vector<1x16xf32> to vector<16xf32>
      %add3A_364 = arith.addf %add3A_357, %get3A_363 : vector<16xf32>
      %add3A_365 = arith.constant 15 : i32
      %add3A_366 = arith.addi %mul3A_111, %add3A_365 : i32
      %get3A_367 = arith.index_cast %add3A_366 : i32 to index
      %get3A_368 = arith.constant 16 : index
      %get3A_369 = tpu.vector_load %arg6[%get3A_367, %get3A_368] {strides = array<i32>} : memref<640x32xf32, #tpu.memory_space<vmem>>, vector<1x16xf32>,
      %get3A_370 = vector.shape_cast %get3A_369 : vector<1x16xf32> to vector<16xf32>
      %add3A_371 = arith.addf %add3A_364, %get3A_370 : vector<16xf32>
      %add3A_372 = arith.constant 16 : i32
      %add3A_373 = arith.addi %mul3A_111, %add3A_372 : i32
      %get3A_374 = arith.index_cast %add3A_373 : i32 to index
      %get3A_375 = arith.constant 16 : index
      %get3A_376 = tpu.vector_load %arg6[%get3A_374, %get3A_375] {strides = array<i32>} : memref<640x32xf32, #tpu.memory_space<vmem>>, vector<1x16xf32>,
      %get3A_377 = vector.shape_cast %get3A_376 : vector<1x16xf32> to vector<16xf32>
      %add3A_378 = arith.addf %add3A_371, %get3A_377 : vector<16xf32>
      %add3A_379 = arith.constant 17 : i32
      %add3A_380 = arith.addi %mul3A_111, %add3A_379 : i32
      %get3A_381 = arith.index_cast %add3A_380 : i32 to index
      %get3A_382 = arith.constant 16 : index
      %get3A_383 = tpu.vector_load %arg6[%get3A_381, %get3A_382] {strides = array<i32>} : memref<640x32xf32, #tpu.memory_space<vmem>>, vector<1x16xf32>,
      %get3A_384 = vector.shape_cast %get3A_383 : vector<1x16xf32> to vector<16xf32>
      %add3A_385 = arith.addf %add3A_378, %get3A_384 : vector<16xf32>
      %add3A_386 = arith.constant 18 : i32
      %add3A_387 = arith.addi %mul3A_111, %add3A_386 : i32
      %get3A_388 = arith.index_cast %add3A_387 : i32 to index
      %get3A_389 = arith.constant 16 : index
      %get3A_390 = tpu.vector_load %arg6[%get3A_388, %get3A_389] {strides = array<i32>} : memref<640x32xf32, #tpu.memory_space<vmem>>, vector<1x16xf32>,
      %get3A_391 = vector.shape_cast %get3A_390 : vector<1x16xf32> to vector<16xf32>
      %add3A_392 = arith.addf %add3A_385, %get3A_391 : vector<16xf32>
      %add3A_393 = arith.constant 19 : i32
      %add3A_394 = arith.addi %mul3A_111, %add3A_393 : i32
      %get3A_395 = arith.index_cast %add3A_394 : i32 to index
      %get3A_396 = arith.constant 16 : index
      %get3A_397 = tpu.vector_load %arg6[%get3A_395, %get3A_396] {strides = array<i32>} : memref<640x32xf32, #tpu.memory_space<vmem>>, vector<1x16xf32>,
      %get3A_398 = vector.shape_cast %get3A_397 : vector<1x16xf32> to vector<16xf32>
      %add3A_399 = arith.addf %add3A_392, %get3A_398 : vector<16xf32>
      %mul3A_400 = vector.broadcast %scan3A : f32 to vector<16xf32>
      %mul3A_401 = arith.mulf %add3A_399, %mul3A_400 : vector<16xf32>
      %swap3A_402 = arith.index_cast %scan3A_108 : i32 to index
      %swap3A_403 = arith.constant 16 : index
      %swap3A_404 = tpu.vector_load %arg7[%swap3A_402, %swap3A_403] {strides = array<i32>} : memref<32x32xf32, #tpu.memory_space<vmem>>, vector<1x16xf32>,
      %swap3A_405 = vector.shape_cast %swap3A_404 : vector<1x16xf32> to vector<16xf32>
      %swap3A_406 = vector.shape_cast %mul3A_401 : vector<16xf32> to vector<1x16xf32>
      tpu.vector_store %arg7[%swap3A_402, %swap3A_403], %swap3A_406 {strides = array<i32>} : memref<32x32xf32, #tpu.memory_space<vmem>>, vector<1x16xf32>,
      %scan3A_407 = arith.constant 0 : i32
      scf.yield %scan3A_407 : i32
    }
    %scan3A_105 = arith.constant 32 : i32
    %mul3A_106 = arith.constant 32 : i32
    %mul3A_107 = arith.muli %add3A, %mul3A_106 : i32
    "tpu.region"() ({
      %run_scoped3A = tpu.sem_alloc : memref<!tpu.dma_semaphore, #tpu.memory_space<semaphore_mem>>
      %dma_start3A_108 = arith.constant 0 : i32
      %dma_start3A_109 = tpu.memref_slice %arg4[%mul3A_107, %dma_start3A_108] : memref<1024x32xf32, #tpu.memory_space<hbm>> -> memref<32x32xf32, #tpu.memory_space<hbm>>
      %dma_start3A_110 = arith.constant 0 : i32
      %dma_start3A_111 = tpu.memref_slice %arg4[%mul3A_107, %dma_start3A_110] : memref<1024x32xf32, #tpu.memory_space<hbm>> -> memref<32x32xf32, #tpu.memory_space<hbm>>
      tpu.enqueue_dma source(%arg7 : memref<32x32xf32, #tpu.memory_space<vmem>>) target(%dma_start3A_111 : memref<32x32xf32, #tpu.memory_space<hbm>>) target_semaphore(%run_scoped3A : memref<!tpu.dma_semaphore, #tpu.memory_space<semaphore_mem>>)
      %dma_wait3A_112 = arith.constant 0 : i32
      %dma_wait3A_113 = tpu.memref_slice %arg4[%mul3A_107, %dma_wait3A_112] : memref<1024x32xf32, #tpu.memory_space<hbm>> -> memref<32x32xf32, #tpu.memory_space<hbm>>
      %dma_wait3A_114 = arith.constant 0 : i32
      %dma_wait3A_115 = tpu.memref_slice %arg4[%mul3A_107, %dma_wait3A_114] : memref<1024x32xf32, #tpu.memory_space<hbm>> -> memref<32x32xf32, #tpu.memory_space<hbm>>
      tpu.wait_dma2 semaphore(%run_scoped3A : memref<!tpu.dma_semaphore, #tpu.memory_space<semaphore_mem>>) src(%arg7 : memref<32x32xf32, #tpu.memory_space<vmem>>) dst(%dma_wait3A_115 : memref<32x32xf32, #tpu.memory_space<hbm>>)
      tpu.yield
    }) : () -> ()
    return
  }
}

module attributes {stable_mosaic.version = 14 : i64} {
  func.func @k(%arg0: i32, %arg1: memref<1024x104xbf16, #tpu.memory_space<vmem>>, %arg2: memref<1x104x2000xbf16, #tpu.memory_space<vmem>>, %arg3: memref<1x1024xf32, #tpu.memory_space<vmem>>, %arg4: memref<1x1024xf32, #tpu.memory_space<vmem>>, %arg5: memref<1x1024xf32, #tpu.memory_space<vmem>>) attributes {dimension_semantics = [#tpu.dimension_semantics<arbitrary>], iteration_bounds = array<i64: 50>, scalar_prefetch = 0 : i64, scratch_operands = 2 : i64, tpu.core_type = #tpu.core_type<tc>, window_params = [{pipeline_mode = #tpu.pipeline_mode<synchronous>, transform_indices = @transform_0, window_bounds = array<i64: 1024, 104>}, {transform_indices = @transform_1, window_bounds = array<i64: 1, 104, 2000>}, {pipeline_mode = #tpu.pipeline_mode<synchronous>, transform_indices = @transform_2, window_bounds = array<i64: 1, 1024>}]} {
    %eq3A = arith.constant 0 : i32
    %eq3A_0 = arith.cmpi eq, %arg0, %eq3A : i32
    %convert_element_type3A = arith.extui %eq3A_0 : i1 to i32
    %cond3A = arith.constant 0 : i32
    %cond3A_1 = arith.cmpi ne, %convert_element_type3A, %cond3A : i32
    scf.if %cond3A_1 {
      %broadcast_in_dim3A_31 = arith.constant -1.000000e+30 : f32
      %broadcast_in_dim3A_32 = vector.broadcast %broadcast_in_dim3A_31 : f32 to vector<1x1024xf32>
      %swap3A_33 = arith.constant 0 : index
      %swap3A_34 = arith.constant 0 : index
      %swap3A_35 = vector.load %arg4[%swap3A_33, %swap3A_34] : memref<1x1024xf32, #tpu.memory_space<vmem>>, vector<1x1024xf32>
      tpu.vector_store %arg4[%swap3A_33, %swap3A_34], %broadcast_in_dim3A_32 {strides = array<i32>} : memref<1x1024xf32, #tpu.memory_space<vmem>>, vector<1x1024xf32>,
      %broadcast_in_dim3A_36 = arith.constant 0.000000e+00 : f32
      %broadcast_in_dim3A_37 = vector.broadcast %broadcast_in_dim3A_36 : f32 to vector<1x1024xf32>
      %swap3A_38 = arith.constant 0 : index
      %swap3A_39 = arith.constant 0 : index
      %swap3A_40 = vector.load %arg5[%swap3A_38, %swap3A_39] : memref<1x1024xf32, #tpu.memory_space<vmem>>, vector<1x1024xf32>
      tpu.vector_store %arg5[%swap3A_38, %swap3A_39], %broadcast_in_dim3A_37 {strides = array<i32>} : memref<1x1024xf32, #tpu.memory_space<vmem>>, vector<1x1024xf32>,
    } else {
    }
    %get3A = arith.constant 0 : index
    %get3A_2 = arith.constant 0 : index
    %get3A_3 = arith.constant 0 : index
    %get3A_4 = vector.load %arg2[%get3A, %get3A_2, %get3A_3] : memref<1x104x2000xbf16, #tpu.memory_space<vmem>>, vector<1x104x2000xbf16>
    %get3A_5 = arith.constant 0 : index
    %get3A_6 = arith.constant 0 : index
    %get3A_7 = vector.load %arg1[%get3A_5, %get3A_6] : memref<1024x104xbf16, #tpu.memory_space<vmem>>, vector<1024x104xbf16>
    %squeeze3A = vector.shape_cast %get3A_4 : vector<1x104x2000xbf16> to vector<104x2000xbf16>
    %dot_general3A = arith.constant dense<0.000000e+00> : vector<2000x1024xf32>
    %dot_general3A_8 = tpu.matmul %squeeze3A, %get3A_7, %dot_general3A {dimension_numbers = #tpu.dot_dimension_numbers<[0], [1], [1], [0], [0, 1, 1, 0], [], []>, transpose_lhs_hint = false} : vector<104x2000xbf16>, vector<1024x104xbf16>, vector<2000x1024xf32> -> vector<2000x1024xf32>
    %get3A_9 = arith.constant 0 : index
    %get3A_10 = arith.constant 0 : index
    %get3A_11 = vector.load %arg4[%get3A_9, %get3A_10] : memref<1x1024xf32, #tpu.memory_space<vmem>>, vector<1x1024xf32>
    %reduce_max3A = arith.constant dense<0xFF800000> : vector<1024xf32>
    %reduce_max3A_12 = vector.multi_reduction <maximumf>, %dot_general3A_8, %reduce_max3A [0] : vector<2000x1024xf32> to vector<1024xf32>
    %broadcast_in_dim3A = vector.shape_cast %reduce_max3A_12 : vector<1024xf32> to vector<1x1024xf32>
    %max3A = arith.maximumf %get3A_11, %broadcast_in_dim3A : vector<1x1024xf32>
    %get3A_13 = arith.constant 0 : index
    %get3A_14 = arith.constant 0 : index
    %get3A_15 = vector.load %arg5[%get3A_13, %get3A_14] : memref<1x1024xf32, #tpu.memory_space<vmem>>, vector<1x1024xf32>
    %sub3A = arith.subf %get3A_11, %max3A : vector<1x1024xf32>
    %exp3A = math.exp %sub3A : vector<1x1024xf32>
    %mul3A = arith.mulf %get3A_15, %exp3A : vector<1x1024xf32>
    %sub3A_16 = vector.broadcast %max3A : vector<1x1024xf32> to vector<2000x1024xf32>
    %sub3A_17 = arith.subf %dot_general3A_8, %sub3A_16 : vector<2000x1024xf32>
    %exp3A_18 = math.exp %sub3A_17 : vector<2000x1024xf32>
    %reduce_sum3A = arith.constant dense<0.000000e+00> : vector<1024xf32>
    %reduce_sum3A_19 = vector.multi_reduction <add>, %exp3A_18, %reduce_sum3A [0] : vector<2000x1024xf32> to vector<1024xf32>
    %broadcast_in_dim3A_20 = vector.shape_cast %reduce_sum3A_19 : vector<1024xf32> to vector<1x1024xf32>
    %add3A = arith.addf %mul3A, %broadcast_in_dim3A_20 : vector<1x1024xf32>
    %swap3A = arith.constant 0 : index
    %swap3A_21 = arith.constant 0 : index
    %swap3A_22 = vector.load %arg5[%swap3A, %swap3A_21] : memref<1x1024xf32, #tpu.memory_space<vmem>>, vector<1x1024xf32>
    tpu.vector_store %arg5[%swap3A, %swap3A_21], %add3A {strides = array<i32>} : memref<1x1024xf32, #tpu.memory_space<vmem>>, vector<1x1024xf32>,
    %swap3A_23 = arith.constant 0 : index
    %swap3A_24 = arith.constant 0 : index
    %swap3A_25 = vector.load %arg4[%swap3A_23, %swap3A_24] : memref<1x1024xf32, #tpu.memory_space<vmem>>, vector<1x1024xf32>
    tpu.vector_store %arg4[%swap3A_23, %swap3A_24], %max3A {strides = array<i32>} : memref<1x1024xf32, #tpu.memory_space<vmem>>, vector<1x1024xf32>,
    %eq3A_26 = arith.constant 49 : i32
    %eq3A_27 = arith.cmpi eq, %arg0, %eq3A_26 : i32
    %convert_element_type3A_28 = arith.extui %eq3A_27 : i1 to i32
    %cond3A_29 = arith.constant 0 : i32
    %cond3A_30 = arith.cmpi ne, %convert_element_type3A_28, %cond3A_29 : i32
    scf.if %cond3A_30 {
      %get3A_31 = arith.constant 0 : index
      %get3A_32 = arith.constant 0 : index
      %get3A_33 = vector.load %arg4[%get3A_31, %get3A_32] : memref<1x1024xf32, #tpu.memory_space<vmem>>, vector<1x1024xf32>
      %get3A_34 = arith.constant 0 : index
      %get3A_35 = arith.constant 0 : index
      %get3A_36 = vector.load %arg5[%get3A_34, %get3A_35] : memref<1x1024xf32, #tpu.memory_space<vmem>>, vector<1x1024xf32>
      %log3A = math.log %get3A_36 : vector<1x1024xf32>
      %add3A_37 = arith.addf %get3A_33, %log3A : vector<1x1024xf32>
      %swap3A_38 = arith.constant 0 : index
      %swap3A_39 = arith.constant 0 : index
      %swap3A_40 = vector.load %arg3[%swap3A_38, %swap3A_39] : memref<1x1024xf32, #tpu.memory_space<vmem>>, vector<1x1024xf32>
      tpu.vector_store %arg3[%swap3A_38, %swap3A_39], %add3A_37 {strides = array<i32>} : memref<1x1024xf32, #tpu.memory_space<vmem>>, vector<1x1024xf32>,
    } else {
    }
    return
  }
  func.func @transform_0(%arg0: i32) -> (i32, i32) {
    %c0_i32 = arith.constant 0 : i32
    %c0_i32_0 = arith.constant 0 : i32
    %c0_i32_1 = arith.constant 0 : i32
    return %c0_i32, %c0_i32_0 : i32, i32
  }
  func.func @transform_1(%arg0: i32) -> (i32, i32, i32) {
    %c0_i32 = arith.constant 0 : i32
    %c0_i32_0 = arith.constant 0 : i32
    %c0_i32_1 = arith.constant 0 : i32
    return %arg0, %c0_i32, %c0_i32_0 : i32, i32, i32
  }
  func.func @transform_2(%arg0: i32) -> (i32, i32) {
    %c0_i32 = arith.constant 0 : i32
    %c0_i32_0 = arith.constant 0 : i32
    %c0_i32_1 = arith.constant 0 : i32
    return %c0_i32, %c0_i32_0 : i32, i32
  }
}

module attributes {stable_mosaic.version = 14 : i64} {
  func.func @k(%arg0: i32, %arg1: memref<1024x104xbf16, #tpu.memory_space<vmem>>, %arg2: memref<1x104x2000xbf16, #tpu.memory_space<vmem>>, %arg3: memref<1x1024xf32, #tpu.memory_space<vmem>>, %arg4: memref<2000x1024xf32, #tpu.memory_space<vmem>>) attributes {dimension_semantics = [#tpu.dimension_semantics<arbitrary>], iteration_bounds = array<i64: 50>, scalar_prefetch = 0 : i64, scratch_operands = 0 : i64, tpu.core_type = #tpu.core_type<tc>, window_params = [{pipeline_mode = #tpu.pipeline_mode<synchronous>, transform_indices = @transform_0, window_bounds = array<i64: 1024, 104>}, {transform_indices = @transform_1, window_bounds = array<i64: 1, 104, 2000>}, {pipeline_mode = #tpu.pipeline_mode<synchronous>, transform_indices = @transform_2, window_bounds = array<i64: 1, 1024>}, {transform_indices = @transform_3, window_bounds = array<i64: 2000, 1024>}]} {
    %get3A = arith.constant 0 : index
    %get3A_0 = arith.constant 0 : index
    %get3A_1 = arith.constant 0 : index
    %get3A_2 = vector.load %arg2[%get3A, %get3A_0, %get3A_1] : memref<1x104x2000xbf16, #tpu.memory_space<vmem>>, vector<1x104x2000xbf16>
    %get3A_3 = arith.constant 0 : index
    %get3A_4 = arith.constant 0 : index
    %get3A_5 = vector.load %arg1[%get3A_3, %get3A_4] : memref<1024x104xbf16, #tpu.memory_space<vmem>>, vector<1024x104xbf16>
    %squeeze3A = vector.shape_cast %get3A_2 : vector<1x104x2000xbf16> to vector<104x2000xbf16>
    %dot_general3A = arith.constant dense<0.000000e+00> : vector<2000x1024xf32>
    %dot_general3A_6 = tpu.matmul %squeeze3A, %get3A_5, %dot_general3A {dimension_numbers = #tpu.dot_dimension_numbers<[0], [1], [1], [0], [0, 1, 1, 0], [], []>, transpose_lhs_hint = false} : vector<104x2000xbf16>, vector<1024x104xbf16>, vector<2000x1024xf32> -> vector<2000x1024xf32>
    %get3A_7 = arith.constant 0 : index
    %get3A_8 = arith.constant 0 : index
    %get3A_9 = vector.load %arg3[%get3A_7, %get3A_8] : memref<1x1024xf32, #tpu.memory_space<vmem>>, vector<1x1024xf32>
    %sub3A = vector.broadcast %get3A_9 : vector<1x1024xf32> to vector<2000x1024xf32>
    %sub3A_10 = arith.subf %dot_general3A_6, %sub3A : vector<2000x1024xf32>
    %exp3A = math.exp %sub3A_10 : vector<2000x1024xf32>
    %swap3A = arith.constant 0 : index
    %swap3A_11 = arith.constant 0 : index
    %swap3A_12 = vector.load %arg4[%swap3A, %swap3A_11] : memref<2000x1024xf32, #tpu.memory_space<vmem>>, vector<2000x1024xf32>
    tpu.vector_store %arg4[%swap3A, %swap3A_11], %exp3A {strides = array<i32>} : memref<2000x1024xf32, #tpu.memory_space<vmem>>, vector<2000x1024xf32>,
    return
  }
  func.func @transform_0(%arg0: i32) -> (i32, i32) {
    %c0_i32 = arith.constant 0 : i32
    %c0_i32_0 = arith.constant 0 : i32
    %c0_i32_1 = arith.constant 0 : i32
    return %c0_i32, %c0_i32_0 : i32, i32
  }
  func.func @transform_1(%arg0: i32) -> (i32, i32, i32) {
    %c0_i32 = arith.constant 0 : i32
    %c0_i32_0 = arith.constant 0 : i32
    %c0_i32_1 = arith.constant 0 : i32
    return %arg0, %c0_i32, %c0_i32_0 : i32, i32, i32
  }
  func.func @transform_2(%arg0: i32) -> (i32, i32) {
    %c0_i32 = arith.constant 0 : i32
    %c0_i32_0 = arith.constant 0 : i32
    %c0_i32_1 = arith.constant 0 : i32
    return %c0_i32, %c0_i32_0 : i32, i32
  }
  func.func @transform_3(%arg0: i32) -> (i32, i32) {
    %c0_i32 = arith.constant 0 : i32
    %c0_i32_0 = arith.constant 0 : i32
    return %arg0, %c0_i32 : i32, i32
  }
}

</mosaic_0001>

<sc_bundles>
// kernel: kernel.5.cloned.1.call-start
scs
__scs_entry_jumppad:
0x0: {  	(pc) =	sbr.rel $0x88, $3  }
0x1: {  	(tag) =	ssettag $0x0;
	lr =	simm.s32 $0x1  }
0x2: {  	[smem:$0x3F9D] =	sst lr;
	_ =	strace $0xD0000000  }
0x3: {  	_ = 	snop  }
0x4: {  	_ = 	snop  }
0x5: {  	_ = 	snop  }
0x6: {  	_ = 	snop  }
0x7: {  	_ = 	snop  }
__scs_overlays_trampoline_lowered:
0x8: {  	[smem:$0x3FAC] =	sst s0  }
0x9: {  	[smem:$0x3FAD] =	sst s1  }
0xa: {  	[smem:$0x3FAE] =	sst s2  }
0xb: {  	[smem:$0x3FAF] =	sst s3  }
0xc: {  	[smem:$0x3FB0] =	sst s4  }
0xd: {  	[smem:$0x3FB1] =	sst s5  }
0xe: {  	[smem:$0x3FB2] =	sst s6  }
0xf: {  	[smem:$0x3FB3] =	sst s7  }
0x10: {  	[smem:$0x3FB4] =	sst s8  }
0x11: {  	[smem:$0x3FB5] =	sst s9;
	s0 =	simm.s32 @!p0 $0x0  }
0x12: {  	s1 =	sld [smem:$0x3F9B];
	s0 =	simm.s32 @p0 $0x1  }
0x13: {  	[smem:$0x3FB6] =	sst s0;
	s0 =	simm.s32 @!p1 $0x0  }
0x14: {  	s2 =	sld [smem:$0x3F9A];
	s0 =	simm.s32 @p1 $0x1  }
0x15: {  	[smem:$0x3FB7] =	sst s0;
	s0 =	simm.s32 @!p2 $0x0  }
0x16: {  	s3 =	sld [smem:$0x3FDB];
	s0 =	simm.s32 @p2 $0x1  }
0x17: {  	s4 =	simm.s32 $0x1BF5;
	[smem:$0x3FB9] =	sst s0  }
0x18: {  	s0 =	sld [smem:$0x3F9C];
	_ =	swait.ge [sflag:s4], $0x0  }
0x19: {  	s7 =	sld [smem:$0x3F9D]  }
0x1a: {  	s8 =	sadd.s32 $0xFFFFE003, lr  }
0x1b: {  	s9 =	sadd.s32 $0xFFFFFEF7, lr;
	s5 =	simm.s32 $0xFFFFFFFF;
	p2 =	slt.u32 s8, $0xFFFFF086  }
0x1c: {  	p1 =	slt.u32 s9, $0xF7A;
	s5 =	simm.s32 @!p2 $0x0  }
0x1d: {  	s5 =	simm.s32 @p1 $0x1;
	p0 =	seq.s32 s7, s2  }
0x1e: {  	s7 =	smul.u32 @!p0 $0xF7A, s2;
	p2 =	seq.s32 @!p0 s5, $0x0  }
0x1f: {  	s9 =	smul.u32 $0xF7A, s1;
	s8 =	simm.s32 @!p0 $0x1BF5;
	p2 =	por !p2, p0  }
0x20: {  	[sflag:s8] =	ssyncset.s32 @!p0 $0xFFFFF086;
	s6 =	sadd.s32 @!p0 s3, s7;
	s7 =	simm.s32 @!p0 $0x108  }
0x21: {  	s3 =	sadd.s32 s3, s9;
	s6 =	sadd.s32 @!p0 $0x88, s6;
	s7 =	simm.s32 @p2 $0x1082  }
0x22: {  	[simem:s7], [sflag:s8] =	dma.local @!p0 [hbm:s6], $0xF7A  }
0x23: {  	s9 =	sor.u32 $0xD0000000, s2;
	s6 =	simm.s32 $0x108;
	_ =	swait.ge @!p0 [sflag:s8], $0x0  }
0x24: {  	s3 =	sadd.s32 $0x88, s3;
	s6 =	simm.s32 @!p1 $0x1082;
	[sflag:s4] =	ssyncset.s32 $0xFFFFF086  }
0x25: {  	[simem:s6], [sflag:s4] =	dma.local [hbm:s3], $0xF7A  }
0x26: {  	[smem:$0x3F9D] =	sst s1;
	(tag) =	ssettag s2;
	_ =	strace s9  }
0x27: {  	s1 =	sld [smem:$0x3FAD]  }
0x28: {  	s2 =	sld [smem:$0x3FAE]  }
0x29: {  	s4 =	sld [smem:$0x3FB0]  }
0x2a: {  	p0 =	seq.s32 s5, $0x0;
	s5 =	sld [smem:$0x3FB1]  }
0x2b: {  	s6 =	sld [smem:$0x3FB2]  }
0x2c: {  	s7 =	sld [smem:$0x3FB3]  }
0x2d: {  	s3 =	simm.s32 $0x108;
	s8 =	sld [smem:$0x3FB4]  }
0x2e: {  	s3 =	simm.s32 @!p0 $0x1082;
	s9 =	sld [smem:$0x3FB5]  }
0x2f: {  	lr =	sadd.s32 s0, s3;
	s0 =	sld [smem:$0x3FAC]  }
0x30: {  	s3 =	sld [smem:$0x3FAF]  }
0x31: {  	[smem:$0x3FB8] =	sst s10  }
0x32: {  	s10 =	sld [smem:$0x3FB6];
	_ =	sdelay $0x3  }
0x33: {  	p0 =	seq.s32 s10, $0x1;
	s10 =	sld [smem:$0x3FB8];
	_ =	sdelay $0x3  }
0x34: {  	[smem:$0x3FB8] =	sst s10  }
0x35: {  	s10 =	sld [smem:$0x3FB7];
	_ =	sdelay $0x3  }
0x36: {  	p1 =	seq.s32 s10, $0x1;
	s10 =	sld [smem:$0x3FB8];
	_ =	sdelay $0x3  }
0x37: {  	[smem:$0x3FB8] =	sst s10  }
0x38: {  	s10 =	sld [smem:$0x3FB9]  }
0x39: {  	_ = 	snop;
	(pc) =	sbr.ind lr, $3  }
0x3a: {  	_ = 	snop  }
0x3b: {  	_ = 	snop  }
0x3c: {  	p2 =	seq.s32 s10, $0x1;
	s10 =	sld [smem:$0x3FB8]  }
0x3d: {  	_ =	shalt  }
0x3e: {  	_ =	shalt  }
0x3f: {  	_ =	shalt  }
0x40: {  	_ =	shalt  }
0x41: {  	_ =	shalt  }
0x42: {  	_ =	shalt  }
0x43: {  	_ =	shalt  }
0x44: {  	_ =	shalt  }
0x45: {  	_ =	shalt  }
0x46: {  	_ =	shalt  }
0x47: {  	_ =	shalt  }
0x48: {  	_ =	shalt  }
0x49: {  	_ =	shalt  }
0x4a: {  	_ =	shalt  }
0x4b: {  	_ =	shalt  }
0x4c: {  	_ =	shalt  }
0x4d: {  	_ =	shalt  }
0x4e: {  	_ =	shalt  }
0x4f: {  	_ =	shalt  }
0x50: {  	_ =	shalt  }
0x51: {  	_ =	shalt  }
0x52: {  	_ =	shalt  }
0x53: {  	_ =	shalt  }
0x54: {  	_ =	shalt  }
0x55: {  	_ =	shalt  }
0x56: {  	_ =	shalt  }
0x57: {  	_ =	shalt  }
0x58: {  	_ =	shalt  }
0x59: {  	_ =	shalt  }
0x5a: {  	_ =	shalt  }
0x5b: {  	_ =	shalt  }
0x5c: {  	_ =	shalt  }
0x5d: {  	_ =	shalt  }
0x5e: {  	_ =	shalt  }
0x5f: {  	_ =	shalt  }
0x60: {  	_ =	shalt  }
0x61: {  	_ =	shalt  }
0x62: {  	_ =	shalt  }
0x63: {  	_ =	shalt  }
0x64: {  	_ =	shalt  }
0x65: {  	_ =	shalt  }
0x66: {  	_ =	shalt  }
0x67: {  	_ =	shalt  }
0x68: {  	_ =	shalt  }
0x69: {  	_ =	shalt  }
0x6a: {  	_ =	shalt  }
0x6b: {  	_ =	shalt  }
0x6c: {  	_ =	shalt  }
0x6d: {  	_ =	shalt  }
0x6e: {  	_ =	shalt  }
0x6f: {  	_ =	shalt  }
0x70: {  	_ =	shalt  }
0x71: {  	_ =	shalt  }
0x72: {  	_ =	shalt  }
0x73: {  	_ =	shalt  }
0x74: {  	_ =	shalt  }
0x75: {  	_ =	shalt  }
0x76: {  	_ =	shalt  }
0x77: {  	_ =	shalt  }
0x78: {  	_ =	shalt  }
0x79: {  	_ =	shalt  }
0x7a: {  	_ =	shalt  }
0x7b: {  	_ =	shalt  }
0x7c: {  	_ =	shalt  }
0x7d: {  	_ =	shalt  }
0x7e: {  	_ =	shalt  }
0x7f: {  	_ =	shalt  }
0x80: {  	_ =	shalt  }
0x81: {  	_ =	shalt  }
0x82: {  	_ =	shalt  }
0x83: {  	_ =	shalt  }
0x84: {  	_ =	shalt  }
0x85: {  	_ =	shalt  }
0x86: {  	_ =	shalt  }
0x87: {  	_ =	shalt  }
.Lfunc_end0:
.L_simem_size_0:
called_computation_lowered:
.L_overlay_start_0:
0x88: {  	s2 =	sld [smem:$0x3FD9]  }
0x89: {  	s3 =	sld [smem:$0x3FFE];
	_ =	sdelay $0x1  }
0x8a: {  	s1 =	srdreg.scid  }
0x8b: {  	s0 =	sand.u32 $0x1, s1  }
0x8c: {  	s16 =	sshll.u32 s0, $0xA;
	s2 =	sadd.s32 s3, s2  }
0x8d: {  	s2 =	sadd.s32 s2, s16  }
0x8e: {  	[smem:$0x3FC4] =	sst s2  }
0x8f: {  	_ = 	snop  }
0x90: {  	(tm) =	ssettm $0x1  }
0x91: {  	s17 =	sld [smem:$0x3FFB];
	_ =	sdelay $0x3  }
0x92: {  	_ =	strace s17  }
0x93: {  	s2 =	sld [smem:$0x3FFC];
	_ =	sdelay $0x3  }
0x94: {  	_ =	strace s2  }
0x95: {  	s2 =	sld [smem:$0x3FFD];
	_ =	sdelay $0x3  }
0x96: {  	_ =	strace s2  }
0x97: {  	_ =	strace $0x8FFFFFFF  }
0x98: {  	s18 =	sld [smem:$0x3FDB];
	_ =	sdelay $0x1  }
0x99: {  	s19 =	simm.s32 $_scs_section_size  }
0x9a: {  	s4 =	simm.s32 $_size__tile_overlayer_lowered;
	s5 =	simm.s32 $_tile_overlayer_lowered  }
0x9b: {  	s22 =	simm.s32 $0x1BFF;
	s21 =	sshll.u32 s5, $0x1;
	s2 =	sadd.s32 s19, s18  }
0x9c: {  	s6 =	simm.s32 $0x0;
	s20 =	sshll.u32 s4, $0x1;
	s4 =	sadd.s32 s21, s2  }
0x9d: {  	[timem:s6], [sflag:s22] =	dma.local [hbm:s4], s20  }
0x9e: {  	_ =	swait.ge [sflag:s22], s20  }
0x9f: {  	s3 =	ssub.s32 $0x0, s20;
	[sflag:s22] =	ssyncset.done $0x0  }
0xa0: {  	[sflag:s22] =	ssyncadd.s32 s3;
	_ =	sdelay $0x1  }
0xa1: {  	s23 =	simm.s32 $0x1B8B  }
0xa2: {  	_ =	swait.ge [sflag:s23], $0x1  }
0xa3: {  	[sflag:s23] =	ssyncset.done $0x0  }
0xa4: {  	s25 =	simm.s32 $0x1B8E;
	s24 =	sld [smem:$0x3FFE];
	[sflag:s23] =	ssyncadd.s32 $0xFFFFFFFF  }
0xa5: {  	s26 =	simm.s32 $execute0_lowered;
	[smem:$0x3FD2] =	sst s25  }
0xa6: {  	s4 =	sshll.u32 s26, $0x1;
	_ =	strace $0x80000046;
	[dreg:$0x1] =	wrdreg $0xFFFFFFFF  }
0xa7: {  	s28 =	simm.s32 $_size_execute0_lowered;
	s2 =	sadd.s32 s2, s4;
	[dreg:$0x0] =	wrdreg $0x0  }
0xa8: {  	s4 =	sshll.u32 s28, $0x1;
	[dreg:$0x2] =	wrdreg s2  }
0xa9: {  	[dreg:$0x3] =	wrdreg s4  }
0xaa: {  	[dreg:$0x4] =	wrdreg $0xC0  }
0xab: {  	_ =	task [dreg:s6], $0x5FFFF  }
0xac: {  	[dreg:$0x1] =	wrdreg $0xFFFFFFFF  }
0xad: {  	[dreg:$0x0] =	wrdreg $0x60  }
0xae: {  	[dreg:$0x2] =	wrdreg s24  }
0xaf: {  	[dreg:$0x3] =	wrdreg $0x9  }
0xb0: {  	_ =	task.clear_ibuf [dreg:s6], $0x4FFFF;
	_ =	strace $0x90000046  }
0xb1: {  	s29 =	simm.s32 $0x9;
	_ =	strace $0x80000048  }
0xb2: {  	_ =	swait.ge [sflag:s29], $0x1  }
0xb3: {  	[sflag:s29] =	ssyncadd.s32 $0xFFFFFFFF  }
0xb4: {  	_ =	strace $0x90000048  }
0xb5: {  	_ =	sfence  }
0xb6: {  	s30 =	sld [smem:$0x0];
	_ =	sdelay $0x2  }
0xb7: {  	s31 =	sshll.u32 s1, $0xD;
	s1 =	sshrl.u32 s1, $0x2  }
0xb8: {  	s3 =	sand.u32 $0x4000, s31;
	s1 =	sadd.s32 s1, s30  }
0xb9: {  	s0 =	sor.u32 s3, s0;
	s1 =	sshll.u32 s1, $0x11  }
0xba: {  	s0 =	sor.u32 s1, s0  }
0xbb: {  	s0 =	sadd.s32 $0x8F2B, s0  }
0xbc: {  	[sflag:s0] =	ssyncadd.remote.s32 $0x1  }
0xbd: {  	_ =	sfence.sel $0xFFFF  }
0xbe: {  	[dreg:$0x0] =	wrdreg $0xFFFFFFFF;
	(pc) =	sbr.abs _section_cstart, $3  }
0xbf: {  	[dreg:$0x1] =	wrdreg $0xFFFFFFFF  }
0xc0: {  	_ =	task.clear_ibuf [dreg:s6], $0x2FFFF;
	_ =	strace $0x9FFFFFFF  }
0xc1: {  	(tm) =	ssettm $0x7FFFFFFF  }
tec
execute0_lowered:
.L_overlay_start_1:
0x0: {  	(tag) =	ssettag $0x1  }
0x1: {  	s1 =	srdreg.scid  }
0x2: {  	s0 =	stileid.u32;
	s4 =	rddreg [dreg:$0x0];
	s2 =	simm.s32 $0x0  }
0x3: {  	s9 =	simm.s32 $0x280;
	s10 =	simm.s32 $0x1280;
	s11 =	simm.s32 $0x100  }
0x4: {  	s12 =	simm.s32 $0x2280;
	s13 =	simm.s32 $0x180;
	s14 =	simm.s32 $0x3280  }
0x5: {  	s15 =	simm.s32 $0x200;
	s16 =	simm.s32 $0x4280;
	s17 =	simm.s32 $0x1  }
0x6: {  	s18 =	simm.s32 $0x5280;
	s3 =	sand.u32 $0x1, s1;
	s1 =	rddreg [dreg:$0x1]  }
0x7: {  	s19 =	simm.s32 $0x0;
	s31 =	sshll.u32 s0, $0x1;
	[smem:$0x7FF] =	sst s2  }
0x8: {  	s5 =	sor.u32 s3, s31;
	_ =	strace $0x80000047;
	s7 =	ssub.s32 $0x2, s3  }
0x9: {  	s6 =	smul.u32 $0x50, s5;
	s5 =	sshll.u32 s5, $0x7;
	s8 =	sshrl.u32 s7, $0x1  }
0xa: {  	s3 =	sadd.s32 $0x2A00, s4;
	s5 =	sadd.s32 s5, s4;
	s7 =	ssub.s32 s7, s8  }
0xb: {  	s8 =	simm.s32 $0x80;
	s6 =	sadd.s32 s6, s4;
	s5 =	sadd.s32 $0x64600, s5  }
0xc: {  	s4 =	sadd.s32 $0x2000, s6;
	s6 =	smax.u32 s7, $0x1;
	s7 =	simm.s32 $0x2  }
.LBB2_1:
0xd: {  	[tilespmem:s2], [sflag:$0x2] =	stream.linear.gather [hbm4b:s4+s2], $0x280, $0x38;
	[tilespmem:$0x5680] =	vst v63  }
0xe: {  	_ =	swait.ge [sflag:s7], $0x280  }
0xf: {  	[sflag:s7] =	ssyncset.done $0x0  }
0x10: {  	[sflag:s7] =	ssyncadd.s32 $0xFFFFFD80  }
0x11: {  	[tilespmem:s9], [sflag:$0x1] =	stream.indirect.gather [hbm4b:s3+s8], $0x20, s2, s8, $0xb8;
	[tilespmem:$0x5680] =	vst v63  }
0x12: {  	_ = 	snop  }
0x13: {  	[tilespmem:s10], [sflag:$0x1] =	stream.indirect.gather [hbm4b:s3+s8], $0x20, s8, s8, $0xb8;
	[tilespmem:$0x5680] =	vst v63  }
0x14: {  	_ = 	snop  }
0x15: {  	[tilespmem:s12], [sflag:$0x1] =	stream.indirect.gather [hbm4b:s3+s8], $0x20, s11, s8, $0xb8;
	[tilespmem:$0x5680] =	vst v63  }
0x16: {  	_ = 	snop  }
0x17: {  	[tilespmem:s14], [sflag:$0x1] =	stream.indirect.gather [hbm4b:s3+s8], $0x20, s13, s8, $0xb8;
	[tilespmem:$0x5680] =	vst v63  }
0x18: {  	_ = 	snop  }
0x19: {  	[tilespmem:s16], [sflag:$0x1] =	stream.indirect.gather [hbm4b:s3+s8], $0x20, s15, s8, $0xb8;
	[tilespmem:$0x5680] =	vst v63  }
0x1a: {  	_ =	swait.ge [sflag:s17], $0x1000  }
0x1b: {  	[sflag:s17] =	ssyncset.done $0x0  }
0x1c: {  	[sflag:s17] =	ssyncadd.s32 $0xFFFFF000  }
0x1d: {  	_ =	swait.ge [sflag:s17], $0x1000  }
0x1e: {  	[sflag:s17] =	ssyncset.done $0x0  }
0x1f: {  	[sflag:s17] =	ssyncadd.s32 $0xFFFFF000  }
0x20: {  	_ =	swait.ge [sflag:s17], $0x1000  }
0x21: {  	[sflag:s17] =	ssyncset.done $0x0  }
0x22: {  	[sflag:s17] =	ssyncadd.s32 $0xFFFFF000  }
0x23: {  	_ =	swait.ge [sflag:s17], $0x1000  }
0x24: {  	[sflag:s17] =	ssyncset.done $0x0  }
0x25: {  	[sflag:s17] =	ssyncadd.s32 $0xFFFFF000  }
0x26: {  	_ =	swait.ge [sflag:s17], $0x1000  }
0x27: {  	[sflag:s17] =	ssyncset.done $0x0  }
0x28: {  	s20 =	simm.s32 $0x3C0;
	[sflag:s17] =	ssyncadd.s32 $0xFFFFF000  }
0x29: {  	s22 =	simm.s32 $0x80;
	s21 =	simm.s32 $0x0;
	v0 =	vld [tilespmem:s20+$0xFFFFFEC0]  }
.LBB2_2:
0x2a: {  	p0 =	sne.s32 s22, $0xF80;
	v1 =	vld [tilespmem:s20+$0xFFFFFEE0]  }
0x2b: {  	v2 =	vld [tilespmem:s20+$0xFFFFFF00]  }
0x2c: {  	v3 =	vld [tilespmem:s20+$0xFFFFFF20]  }
0x2d: {  	v4 =	vld [tilespmem:s20+$0xFFFFFF40]  }
0x2e: {  	v0 =	vadd.f32 $0.0e+00, v0;
	v5 =	vld [tilespmem:s20+$0xFFFFFF60]  }
0x2f: {  	v6 =	vld [tilespmem:s20+$0xFFFFFF80]  }
0x30: {  	v0 =	vadd.f32 v1, v0;
	v1 =	vld [tilespmem:s20+$0xFFFFFFA0]  }
0x31: {  	v7 =	vld [tilespmem:s20+$0xFFFFFFC0]  }
0x32: {  	v0 =	vadd.f32 v2, v0;
	v2 =	vld [tilespmem:s20+$0xFFFFFFE0]  }
0x33: {  	v8 =	vld [tilespmem:s20+$0x0]  }
0x34: {  	v0 =	vadd.f32 v3, v0;
	v3 =	vld [tilespmem:s20+$0x20]  }
0x35: {  	v9 =	vld [tilespmem:s20+$0x40]  }
0x36: {  	v0 =	vadd.f32 v4, v0;
	v4 =	vld [tilespmem:s20+$0x60]  }
0x37: {  	v10 =	vld [tilespmem:s20+$0x80]  }
0x38: {  	v0 =	vadd.f32 v5, v0;
	v5 =	vld [tilespmem:s20+$0xA0]  }
0x39: {  	v11 =	vld [tilespmem:s20+$0xC0]  }
0x3a: {  	v0 =	vadd.f32 v6, v0;
	v6 =	vld [tilespmem:s20+$0xE0]  }
0x3b: {  	v12 =	vld [tilespmem:s20+$0x100]  }
0x3c: {  	v0 =	vadd.f32 v1, v0;
	v1 =	vld [tilespmem:s20+$0x120];
	_ =	sdelay $0x1  }
0x3d: {  	v0 =	vadd.f32 v7, v0;
	_ =	sdelay $0x1  }
0x3e: {  	v0 =	vadd.f32 v2, v0;
	_ =	sdelay $0x1  }
0x3f: {  	v0 =	vadd.f32 v8, v0;
	_ =	sdelay $0x1  }
0x40: {  	v0 =	vadd.f32 v3, v0;
	_ =	sdelay $0x1  }
0x41: {  	v0 =	vadd.f32 v9, v0;
	_ =	sdelay $0x1  }
0x42: {  	v0 =	vadd.f32 v4, v0;
	_ =	sdelay $0x1  }
0x43: {  	v0 =	vadd.f32 v10, v0;
	_ =	sdelay $0x1  }
0x44: {  	v0 =	vadd.f32 v5, v0;
	_ =	sdelay $0x1  }
0x45: {  	v0 =	vadd.f32 v11, v0;
	_ =	sdelay $0x1  }
0x46: {  	v0 =	vadd.f32 v6, v0;
	_ =	sdelay $0x1  }
0x47: {  	v0 =	vadd.f32 v12, v0;
	_ =	sdelay $0x1  }
0x48: {  	v0 =	vadd.f32 v1, v0;
	_ =	sdelay $0x1  }
0x49: {  	v0 =	vmul.f32 $5.000000070e-02, v0  }
0x4a: {  	s23 =	sshra.s32 s21, $0x2;
	s21 =	smov.u32 s22  }
0x4b: {  	[tilespmem:s23+$0x5280] =	vst v0  }
0x4c: {  	v0 =	vld [tilespmem:s20+$0xFFFFFED0]  }
0x4d: {  	v1 =	vld [tilespmem:s20+$0xFFFFFEF0]  }
0x4e: {  	v2 =	vld [tilespmem:s20+$0xFFFFFF10]  }
0x4f: {  	v3 =	vld [tilespmem:s20+$0xFFFFFF30]  }
0x50: {  	v4 =	vld [tilespmem:s20+$0xFFFFFF50]  }
0x51: {  	v0 =	vadd.f32 $0.0e+00, v0;
	v5 =	vld [tilespmem:s20+$0xFFFFFF70]  }
0x52: {  	v6 =	vld [tilespmem:s20+$0xFFFFFF90]  }
0x53: {  	v0 =	vadd.f32 v1, v0;
	v1 =	vld [tilespmem:s20+$0xFFFFFFB0]  }
0x54: {  	v7 =	vld [tilespmem:s20+$0xFFFFFFD0]  }
0x55: {  	v0 =	vadd.f32 v2, v0;
	v2 =	vld [tilespmem:s20+$0xFFFFFFF0]  }
0x56: {  	v8 =	vld [tilespmem:s20+$0x10]  }
0x57: {  	v0 =	vadd.f32 v3, v0;
	v3 =	vld [tilespmem:s20+$0x30]  }
0x58: {  	v9 =	vld [tilespmem:s20+$0x50]  }
0x59: {  	v0 =	vadd.f32 v4, v0;
	v4 =	vld [tilespmem:s20+$0x70]  }
0x5a: {  	v10 =	vld [tilespmem:s20+$0x90]  }
0x5b: {  	v0 =	vadd.f32 v5, v0;
	v5 =	vld [tilespmem:s20+$0xB0]  }
0x5c: {  	v11 =	vld [tilespmem:s20+$0xD0]  }
0x5d: {  	v0 =	vadd.f32 v6, v0;
	v6 =	vld [tilespmem:s20+$0xF0]  }
0x5e: {  	v12 =	vld [tilespmem:s20+$0x110]  }
0x5f: {  	v0 =	vadd.f32 v1, v0;
	v1 =	vld [tilespmem:s20+$0x130];
	_ =	sdelay $0x1  }
0x60: {  	v0 =	vadd.f32 v7, v0;
	_ =	sdelay $0x1  }
0x61: {  	v0 =	vadd.f32 v2, v0;
	_ =	sdelay $0x1  }
0x62: {  	v0 =	vadd.f32 v8, v0;
	_ =	sdelay $0x1  }
0x63: {  	v0 =	vadd.f32 v3, v0;
	_ =	sdelay $0x1  }
0x64: {  	v0 =	vadd.f32 v9, v0;
	_ =	sdelay $0x1  }
0x65: {  	v0 =	vadd.f32 v4, v0;
	_ =	sdelay $0x1  }
0x66: {  	v0 =	vadd.f32 v10, v0;
	_ =	sdelay $0x1  }
0x67: {  	v0 =	vadd.f32 v5, v0;
	_ =	sdelay $0x1  }
0x68: {  	v0 =	vadd.f32 v11, v0;
	_ =	sdelay $0x1  }
0x69: {  	v0 =	vadd.f32 v6, v0;
	_ =	sdelay $0x1  }
0x6a: {  	v0 =	vadd.f32 v12, v0;
	_ =	sdelay $0x1  }
0x6b: {  	v0 =	vadd.f32 v1, v0  }
.Ltmp0:
0x6c: {  	(pc) =	sbr.rel @p0 .LBB2_2-.Ltmp0, $3  }
0x6d: {  	v0 =	vmul.f32 $5.000000070e-02, v0;
	_ =	sdelay $0x1  }
0x6e: {  	s20 =	sadd.s32 $0x280, s20;
	[tilespmem:s23+$0x5290] =	vst v0  }
0x6f: {  	s22 =	sadd.s32 $0x80, s22;
	v0 =	vld [tilespmem:s20+$0xFFFFFEC0]  }
0x70: {  	_ = 	snop  }
0x71: {  	v1 =	vld [tilespmem:s20+$0xFFFFFEE0];
	_ =	sdelay $0x1  }
0x72: {  	v2 =	vld [tilespmem:s20+$0xFFFFFF00]  }
0x73: {  	v0 =	vadd.f32 $0.0e+00, v0  }
0x74: {  	v3 =	vld [tilespmem:s20+$0xFFFFFF20]  }
0x75: {  	v0 =	vadd.f32 v1, v0  }
0x76: {  	v29 =	vld [tilespmem:s20+$0xFFFFFF40]  }
0x77: {  	v0 =	vadd.f32 v2, v0  }
0x78: {  	v30 =	vld [tilespmem:s20+$0xFFFFFF60]  }
0x79: {  	v0 =	vadd.f32 v3, v0  }
0x7a: {  	v31 =	vld [tilespmem:s20+$0xFFFFFF80]  }
0x7b: {  	v0 =	vadd.f32 v29, v0  }
0x7c: {  	v32 =	vld [tilespmem:s20+$0xFFFFFFA0]  }
0x7d: {  	v0 =	vadd.f32 v30, v0  }
0x7e: {  	v33 =	vld [tilespmem:s20+$0xFFFFFFC0]  }
0x7f: {  	v0 =	vadd.f32 v31, v0  }
0x80: {  	v34 =	vld [tilespmem:s20+$0xFFFFFFE0]  }
0x81: {  	v0 =	vadd.f32 v32, v0  }
0x82: {  	v35 =	vld [tilespmem:s20+$0x0]  }
0x83: {  	v0 =	vadd.f32 v33, v0  }
0x84: {  	v36 =	vld [tilespmem:s20+$0x20]  }
0x85: {  	v0 =	vadd.f32 v34, v0  }
0x86: {  	v37 =	vld [tilespmem:s20+$0x40]  }
0x87: {  	v0 =	vadd.f32 v35, v0  }
0x88: {  	v38 =	vld [tilespmem:s20+$0x60]  }
0x89: {  	v0 =	vadd.f32 v36, v0  }
0x8a: {  	v39 =	vld [tilespmem:s20+$0x80]  }
0x8b: {  	v0 =	vadd.f32 v37, v0  }
0x8c: {  	v40 =	vld [tilespmem:s20+$0xA0]  }
0x8d: {  	v0 =	vadd.f32 v38, v0  }
0x8e: {  	v41 =	vld [tilespmem:s20+$0xC0]  }
0x8f: {  	v0 =	vadd.f32 v39, v0  }
0x90: {  	v42 =	vld [tilespmem:s20+$0xE0]  }
0x91: {  	v0 =	vadd.f32 v40, v0  }
0x92: {  	v43 =	vld [tilespmem:s20+$0x100]  }
0x93: {  	v0 =	vadd.f32 v41, v0  }
0x94: {  	v44 =	vld [tilespmem:s20+$0x120]  }
0x95: {  	v0 =	vadd.f32 v42, v0;
	_ =	sdelay $0x1  }
0x96: {  	v0 =	vadd.f32 v43, v0;
	_ =	sdelay $0x1  }
0x97: {  	v0 =	vadd.f32 v44, v0;
	_ =	sdelay $0x1  }
0x98: {  	v0 =	vmul.f32 $5.000000070e-02, v0  }
0x99: {  	s21 =	sshra.s32 s21, $0x2  }
0x9a: {  	[tilespmem:s21+$0x5280] =	vst v0  }
0x9b: {  	v0 =	vld [tilespmem:s20+$0xFFFFFED0];
	_ =	sdelay $0x1  }
0x9c: {  	v45 =	vld [tilespmem:s20+$0xFFFFFEF0];
	_ =	sdelay $0x1  }
0x9d: {  	v46 =	vld [tilespmem:s20+$0xFFFFFF10]  }
0x9e: {  	v0 =	vadd.f32 $0.0e+00, v0  }
0x9f: {  	v47 =	vld [tilespmem:s20+$0xFFFFFF30]  }
0xa0: {  	v0 =	vadd.f32 v45, v0  }
0xa1: {  	v48 =	vld [tilespmem:s20+$0xFFFFFF50]  }
0xa2: {  	v0 =	vadd.f32 v46, v0  }
0xa3: {  	v49 =	vld [tilespmem:s20+$0xFFFFFF70]  }
0xa4: {  	v0 =	vadd.f32 v47, v0  }
0xa5: {  	v50 =	vld [tilespmem:s20+$0xFFFFFF90]  }
0xa6: {  	v0 =	vadd.f32 v48, v0  }
0xa7: {  	v51 =	vld [tilespmem:s20+$0xFFFFFFB0]  }
0xa8: {  	v0 =	vadd.f32 v49, v0  }
0xa9: {  	v52 =	vld [tilespmem:s20+$0xFFFFFFD0]  }
0xaa: {  	v0 =	vadd.f32 v50, v0  }
0xab: {  	v53 =	vld [tilespmem:s20+$0xFFFFFFF0]  }
0xac: {  	v0 =	vadd.f32 v51, v0  }
0xad: {  	v54 =	vld [tilespmem:s20+$0x10]  }
0xae: {  	v0 =	vadd.f32 v52, v0  }
0xaf: {  	v55 =	vld [tilespmem:s20+$0x30]  }
0xb0: {  	v0 =	vadd.f32 v53, v0  }
0xb1: {  	v56 =	vld [tilespmem:s20+$0x50]  }
0xb2: {  	v0 =	vadd.f32 v54, v0  }
0xb3: {  	v57 =	vld [tilespmem:s20+$0x70]  }
0xb4: {  	v0 =	vadd.f32 v55, v0  }
0xb5: {  	v58 =	vld [tilespmem:s20+$0x90]  }
0xb6: {  	v0 =	vadd.f32 v56, v0  }
0xb7: {  	v59 =	vld [tilespmem:s20+$0xB0]  }
0xb8: {  	v0 =	vadd.f32 v57, v0  }
0xb9: {  	v60 =	vld [tilespmem:s20+$0xD0]  }
0xba: {  	v0 =	vadd.f32 v58, v0  }
0xbb: {  	v61 =	vld [tilespmem:s20+$0xF0]  }
0xbc: {  	v0 =	vadd.f32 v59, v0  }
0xbd: {  	v62 =	vld [tilespmem:s20+$0x110]  }
0xbe: {  	v0 =	vadd.f32 v60, v0  }
0xbf: {  	v63 =	vld [tilespmem:s20+$0x130]  }
0xc0: {  	v0 =	vadd.f32 v61, v0;
	_ =	sdelay $0x1  }
0xc1: {  	v0 =	vadd.f32 v62, v0;
	_ =	sdelay $0x1  }
0xc2: {  	v0 =	vadd.f32 v63, v0;
	_ =	sdelay $0x1  }
0xc3: {  	s19 =	sadd.s32 $0x1, s19;
	v0 =	vmul.f32 $5.000000070e-02, v0  }
0xc4: {  	p0 =	sne.s32 s19, s6  }
.Ltmp1:
0xc5: {  	[tilespmem:s21+$0x5290] =	vst v0;
	(pc) =	sbr.rel @p0 .LBB2_1-.Ltmp1, $4  }
0xc6: {  	[hbm4b:s5+s2] =	stream.linear.scatter [tilespmem:s18], [sflag:$0x2], $0x400, $0x38;
	[tilespmem:$0x5680] =	vst v63  }
0xc7: {  	_ =	swait.ge [sflag:s7], $0x400  }
0xc8: {  	[sflag:s7] =	ssyncset.done $0x0  }
0xc9: {  	[sflag:s7] =	ssyncadd.s32 $0xFFFFFC00  }
0xca: {  	_ =	sfence.sel $0x180000  }
0xcb: {  	[bflag:$0x0] =	sbarrier.arrive $0xFFFF  }
0xcc: {  	p0 =	sne.s32 s0, $0x0;
	_ =	strace $0x90000047  }
0xcd: {  	s0 =	sadd.s32 @!p0 $0x100000, s1;
	[bflag:$0x2] =	sbarrier.arrive $0xFFFF  }
0xce: {  	[sflag:s0] =	ssyncadd.tile.s32 @!p0 $0x1;
	_ =	shalt  }
.Lfunc_end2:
_tile_overlayer_lowered:
.L_overlay_start_2:
0xcf: {  	(tag) =	ssettag $0x2  }
0xd0: {  	s0 =	rddreg [dreg:$0x0];
	s2 =	stileid.u32  }
0xd1: {  	s1 =	rddreg [dreg:$0x1];
	p0 =	sne.s32 s2, $0x0  }
0xd2: {  	s3 =	rddreg [dreg:$0x2];
	[bflag:$0x3] =	sbarrier.arrive $0xFFFF;
	s2 =	simm.s32 @!p0 $0x1C02  }
0xd3: {  	[timem:s3], [sflag:s2] =	dma.local @!p0 [hbm:s0], s1  }
0xd4: {  	s0 =	simm.s32 @!p0 $0x2  }
0xd5: {  	_ =	swait.ge @!p0 [sflag:s0], s1  }
0xd6: {  	s1 =	ssub.s32 @!p0 $0x0, s1;
	[sflag:s0] =	ssyncset.done @!p0 $0x0  }
0xd7: {  	[sflag:s0] =	ssyncadd.s32 @!p0 s1  }
0xd8: {  	[bflag:$0x3] =	sbarrier.arrive $0xFFFF  }
0xd9: {  	_ =	shalt  }

</sc_bundles>
